<compile_context>
chip_gen: v7x
topology: tpu7x:2x2x1
jax: 0.10.2.dev20260603
libtpu: 0.0.44.dev20260713+nightly
codegen_flags: <defaults>
</compile_context>

<pallas_src>
import functools

import jax
import jax.numpy as jnp
from jax import lax
from jax.experimental import pallas as pl
from jax.experimental.pallas import tpu as pltpu
from jax.experimental.pallas import tpu_sc as plsc

E = 8
D = 1024
T = 4096
C = 512
TB = 512
NB = T // TB

NC, NS = 2, 16
NW = NC * NS
SPW = T // NW
RCH = 32
NCH = SPW // RCH
NBUF = 3



def _router_body(x_ref, wr_ref, br_ref, slot_ref, gate_ref, carry_ref, tri_ref):
    b = pl.program_id(0)

    @pl.when(b == 0)
    def _init():
        carry_ref[...] = jnp.zeros_like(carry_ref)
        ri = lax.broadcasted_iota(jnp.int32, (TB, TB), 0)
        ci = lax.broadcasted_iota(jnp.int32, (TB, TB), 1)
        tri_ref[...] = (ci <= ri).astype(jnp.float32)

    xb = x_ref[...]
    logits = (
        jnp.dot(xb, wr_ref[...], preferred_element_type=jnp.float32)
        + br_ref[...]
    )
    lmax = jnp.max(logits, axis=1, keepdims=True)
    ex = jnp.exp(logits - lmax)
    probs = ex / jnp.sum(ex, axis=1, keepdims=True)
    gate = jnp.max(probs, axis=1)
    pmax = jnp.max(probs, axis=1, keepdims=True)
    lane = lax.broadcasted_iota(jnp.int32, (TB, E), 1)
    idx = jnp.min(jnp.where(probs == pmax, lane, E), axis=1)
    onehot = (lane == idx[:, None]).astype(jnp.float32)
    csum = jnp.dot(tri_ref[...], onehot, preferred_element_type=jnp.float32)
    pos = csum + carry_ref[...]
    carry_ref[...] = carry_ref[...] + csum[TB - 1 : TB, :]
    p = jnp.sum(pos * onehot, axis=1)
    kept = p < float(C)
    gate_m = gate * kept.astype(jnp.float32)
    slot = idx * C + jnp.where(kept, p.astype(jnp.int32), 0)
    slot_ref[0, 0, :] = slot
    gate_ref[0, 0, :] = gate_m


_router_call = pl.pallas_call(
    _router_body,
    grid=(NB,),
    in_specs=[
        pl.BlockSpec((TB, D), lambda b: (b, 0)),
        pl.BlockSpec((D, E), lambda b: (0, 0)),
        pl.BlockSpec((1, E), lambda b: (0, 0)),
    ],
    out_specs=[
        pl.BlockSpec((1, 1, TB), lambda b: (b, 0, 0)),
        pl.BlockSpec((1, 1, TB), lambda b: (b, 0, 0)),
    ],
    out_shape=[
        jax.ShapeDtypeStruct((NB, 1, TB), jnp.int32),
        jax.ShapeDtypeStruct((NB, 1, TB), jnp.float32),
    ],
    scratch_shapes=[pltpu.VMEM((1, E), jnp.float32),
                    pltpu.VMEM((TB, TB), jnp.float32)],
)



def _gathered_rows_out(src_hbm, idx_ref, dst_hbm, base, bufs, gsems, osems):
    gps = [None] * NCH
    ops = [None] * NCH
    for c in range(min(2, NCH)):
        gps[c] = pltpu.async_copy(
            src_hbm.at[idx_ref.at[pl.ds(c * RCH, RCH)]],
            bufs[c % NBUF], gsems[c % NBUF])
    for c in range(NCH):
        gps[c].wait()
        ops[c] = pltpu.async_copy(
            bufs[c % NBUF], dst_hbm.at[pl.ds(base + c * RCH, RCH)],
            osems[c % NBUF])
        n = c + 2
        if n < NCH:
            if c >= 1:
                ops[c - 1].wait()
            gps[n] = pltpu.async_copy(
                src_hbm.at[idx_ref.at[pl.ds(n * RCH, RCH)]],
                bufs[n % NBUF], gsems[n % NBUF])
    for c in range(max(0, NCH - 2), NCH):
        ops[c].wait()


def _dispatch_body(x_hbm, slot_hbm, gate_hbm, ei_hbm, gslot_hbm,
                   slot_v, gate_v, tok_win, gate_win,
                   buf0, buf1, buf2, gs0, gs1, gs2, os0, os1, os2):
    wid = lax.axis_index("s") * NC + lax.axis_index("c")
    base = wid * SPW
    pltpu.sync_copy(slot_hbm, slot_v)
    pltpu.sync_copy(gate_hbm, gate_v.at[pl.ds(0, T)])
    gate_v[pl.ds(T, 16)] = jnp.zeros((16,), jnp.float32)
    for i in range(SPW // 16):
        tok_win[pl.ds(i * 16, 16)] = jnp.full((16,), T, jnp.int32)
    lane = lax.iota(jnp.int32, 16)

    def scatter_step(i, _):
        for u in range(2):
            off = i * 32 + u * 16
            s16 = slot_v[pl.ds(off, 16)]
            t16 = lane + off
            loc = s16 - base
            m = (loc >= 0) & (loc < SPW)
            locc = jnp.clip(loc, 0, SPW - 1)
            plsc.store_scatter(tok_win, [locc], t16, mask=m)
        return 0

    lax.fori_loop(0, T // 32, scatter_step, 0)
    for i in range(SPW // 16):
        t16 = tok_win[pl.ds(i * 16, 16)]
        gate_win[pl.ds(i * 16, 16)] = plsc.load_gather(gate_v, [t16])
    pltpu.sync_copy(gate_win, gslot_hbm.at[pl.ds(base, SPW)])
    _gathered_rows_out(x_hbm, tok_win, ei_hbm, base,
                       (buf0, buf1, buf2), (gs0, gs1, gs2), (os0, os1, os2))



def _ffn_body(ei_ref, w1_ref, b1_ref, w2_ref, b2_ref, g_ref, y_ref):
    g = g_ref[0, 0][:, None]
    xb = ei_ref[0] * g
    h = jnp.dot(xb, w1_ref[0], preferred_element_type=jnp.float32)
    h = jax.nn.relu(h + b1_ref[0])
    y = jnp.dot(h, w2_ref[0], preferred_element_type=jnp.float32)
    y_ref[0] = (y + b2_ref[0]) * g


_ffn_call = pl.pallas_call(
    _ffn_body,
    grid=(E,),
    in_specs=[
        pl.BlockSpec((1, C, D), lambda e: (e, 0, 0)),
        pl.BlockSpec((1, D, D), lambda e: (e, 0, 0)),
        pl.BlockSpec((1, 1, D), lambda e: (e, 0, 0)),
        pl.BlockSpec((1, D, D), lambda e: (e, 0, 0)),
        pl.BlockSpec((1, 1, D), lambda e: (e, 0, 0)),
        pl.BlockSpec((1, 1, C), lambda e: (e, 0, 0)),
    ],
    out_specs=pl.BlockSpec((1, C, D), lambda e: (e, 0, 0)),
    out_shape=jax.ShapeDtypeStruct((E, C, D), jnp.float32),
    compiler_params=pltpu.CompilerParams(vmem_limit_bytes=100 * 1024 * 1024),
)



def _combine_body(y_hbm, slot_hbm, out_hbm, idx_v,
                  buf0, buf1, buf2, gs0, gs1, gs2, os0, os1, os2):
    wid = lax.axis_index("s") * NC + lax.axis_index("c")
    base = wid * SPW
    pltpu.sync_copy(slot_hbm.at[pl.ds(base, SPW)], idx_v)
    _gathered_rows_out(y_hbm, idx_v, out_hbm, base,
                       (buf0, buf1, buf2), (gs0, gs1, gs2), (os0, os1, os2))



@functools.lru_cache(maxsize=None)
def _sc_calls():
    mesh = plsc.VectorSubcoreMesh(
        core_axis_name="c", subcore_axis_name="s",
        num_cores=NC, num_subcores=NS)
    dispatch = pl.kernel(
        _dispatch_body,
        out_type=(
            jax.ShapeDtypeStruct((T, D), jnp.float32),
            jax.ShapeDtypeStruct((T,), jnp.float32),
        ),
        mesh=mesh,
        compiler_params=pltpu.CompilerParams(needs_layout_passes=False),
        scratch_types=[
            pltpu.VMEM((T,), jnp.int32),
            pltpu.VMEM((T + 16,), jnp.float32),
            pltpu.VMEM((SPW,), jnp.int32),
            pltpu.VMEM((SPW,), jnp.float32),
            pltpu.VMEM((RCH, D), jnp.float32),
            pltpu.VMEM((RCH, D), jnp.float32),
            pltpu.VMEM((RCH, D), jnp.float32),
            pltpu.SemaphoreType.DMA,
            pltpu.SemaphoreType.DMA,
            pltpu.SemaphoreType.DMA,
            pltpu.SemaphoreType.DMA,
            pltpu.SemaphoreType.DMA,
            pltpu.SemaphoreType.DMA,
        ],
    )
    combine = pl.kernel(
        _combine_body,
        out_type=jax.ShapeDtypeStruct((T, D), jnp.float32),
        mesh=mesh,
        compiler_params=pltpu.CompilerParams(needs_layout_passes=False),
        scratch_types=[
            pltpu.VMEM((SPW,), jnp.int32),
            pltpu.VMEM((RCH, D), jnp.float32),
            pltpu.VMEM((RCH, D), jnp.float32),
            pltpu.VMEM((RCH, D), jnp.float32),
            pltpu.SemaphoreType.DMA,
            pltpu.SemaphoreType.DMA,
            pltpu.SemaphoreType.DMA,
            pltpu.SemaphoreType.DMA,
            pltpu.SemaphoreType.DMA,
            pltpu.SemaphoreType.DMA,
        ],
    )
    return dispatch, combine


def kernel(inputs, Wr, br, W1, b1, W2, b2):
    x = inputs.reshape(T, D)
    slot3, gate3 = _router_call(x, Wr, br.reshape(1, E))
    slot = slot3.reshape(T)
    gate = gate3.reshape(T)
    dispatch, combine = _sc_calls()
    ei, gslot = dispatch(x, slot, gate)
    y = _ffn_call(ei.reshape(E, C, D), W1, b1.reshape(E, 1, D),
                  W2, b2.reshape(E, 1, D), gslot.reshape(E, 1, C))
    out = combine(y.reshape(T, D), slot)
    return out.reshape(inputs.shape)

# --- scband reference (transcript-rebuilt; emitter-appended) ---
"""Pipeline reference for scband-switch-33578054320454 (READ-ONLY COPY).

The authoritative reference and input builder live on the scoring server;
editing this copy changes nothing except your own understanding.
"""

import jax, jax.numpy as jnp
import numpy as np

NUM_EXPERTS = 8
EMBED_DIM = 1024
BATCH = 2
SEQ = 2048
NUM_TOKENS_PER_BATCH = BATCH * SEQ  # 4096
EXPERT_CAPACITY = NUM_TOKENS_PER_BATCH // NUM_EXPERTS  # 512


def setup_inputs(seed: int = 0) -> dict:
    key = jax.random.key(seed)
    ks = jax.random.split(key, 8)
    inputs = jax.random.normal(ks[0], (BATCH, SEQ, EMBED_DIM), dtype=jnp.float32)
    # Router dense layer params
    Wr = jax.random.normal(ks[1], (EMBED_DIM, NUM_EXPERTS), dtype=jnp.float32) * (1.0 / np.sqrt(EMBED_DIM))
    br = jnp.zeros((NUM_EXPERTS,), dtype=jnp.float32)
    # Expert FFN params (Dense(embed_dim, relu) -> Dense(embed_dim)), stacked over experts
    W1 = jax.random.normal(ks[2], (NUM_EXPERTS, EMBED_DIM, EMBED_DIM), dtype=jnp.float32) * (1.0 / np.sqrt(EMBED_DIM))
    b1 = jnp.zeros((NUM_EXPERTS, EMBED_DIM), dtype=jnp.float32)
    W2 = jax.random.normal(ks[3], (NUM_EXPERTS, EMBED_DIM, EMBED_DIM), dtype=jnp.float32) * (1.0 / np.sqrt(EMBED_DIM))
    b2 = jnp.zeros((NUM_EXPERTS, EMBED_DIM), dtype=jnp.float32)
    return {"inputs": inputs, "Wr": Wr, "br": br, "W1": W1, "b1": b1, "W2": W2, "b2": b2}


def reference(inputs, Wr, br, W1, b1, W2, b2):
    x = inputs.reshape(NUM_TOKENS_PER_BATCH, EMBED_DIM)
    # --- Router (training=False, no jitter noise) ---
    router_logits = x @ Wr + br                       # [T, E]
    router_probs = jax.nn.softmax(router_logits, axis=-1)
    expert_gate, expert_index = jax.lax.top_k(router_probs, 1)   # [T,1], [T,1]
    expert_mask = jax.nn.one_hot(expert_index, NUM_EXPERTS)      # [T,1,E]
    position_in_expert = (jnp.cumsum(expert_mask, axis=0) * expert_mask).astype(jnp.int32)  # [T,1,E]
    expert_mask = expert_mask * (position_in_expert < EXPERT_CAPACITY).astype(jnp.float32)
    expert_mask_flat = jnp.sum(expert_mask, axis=-1)             # [T,1]
    expert_gate = expert_gate * expert_mask_flat                 # [T,1]
    combined_tensor = (
        (expert_gate * expert_mask_flat * jnp.squeeze(jax.nn.one_hot(expert_index, NUM_EXPERTS), 1))[..., None]
        * jnp.squeeze(jax.nn.one_hot(position_in_expert, EXPERT_CAPACITY), 1)
    )                                                            # [T,E,C]
    dispatch_tensor = combined_tensor.astype(jnp.float32)
    # --- Dispatch tokens to experts ---
    expert_inputs = jnp.einsum('ab,acd->cdb', x, dispatch_tensor)  # [E,C,d]
    # --- Expert FFNs (batched over experts) ---
    h = jax.nn.relu(jnp.einsum('ecd,edf->ecf', expert_inputs, W1) + b1[:, None, :])
    expert_out = jnp.einsum('ecd,edf->ecf', h, W2) + b2[:, None, :]  # [E,C,d]
    expert_outputs = jnp.transpose(expert_out, (1, 0, 2))            # [C,E,d] (stack axis=1)
    # --- Combine ---
    expert_outputs_combined = jnp.einsum('abc,xba->xc', expert_outputs, combined_tensor)  # [T,d]
    outputs = expert_outputs_combined.reshape(BATCH, SEQ, EMBED_DIM)
    return outputs

if __name__ == "__main__":
    import jax
    _d = setup_inputs()
    print(jax.jit(kernel)(*tuple(_d.values())))

</pallas_src>

<mosaic_0001>
#map = affine_map<(d0, d1) -> (0, 0)>
#map1 = affine_map<(d0, d1) -> (0)>
module attributes {stable_mosaic.version = 14 : i64} {
  func.func @_combine_body(%arg0: i32, %arg1: i32, %arg2: memref<4096x1024xf32, #tpu.memory_space<hbm>>, %arg3: memref<4096xi32, #tpu.memory_space<hbm>>, %arg4: memref<4096x1024xf32, #tpu.memory_space<hbm>>, %arg5: memref<128xi32, #tpu.memory_space<vmem>>, %arg6: memref<32x1024xf32, #tpu.memory_space<vmem>>, %arg7: memref<32x1024xf32, #tpu.memory_space<vmem>>, %arg8: memref<32x1024xf32, #tpu.memory_space<vmem>>, %arg9: memref<!tpu.dma_semaphore, #tpu.memory_space<semaphore_mem>>, %arg10: memref<!tpu.dma_semaphore, #tpu.memory_space<semaphore_mem>>, %arg11: memref<!tpu.dma_semaphore, #tpu.memory_space<semaphore_mem>>, %arg12: memref<!tpu.dma_semaphore, #tpu.memory_space<semaphore_mem>>, %arg13: memref<!tpu.dma_semaphore, #tpu.memory_space<semaphore_mem>>, %arg14: memref<!tpu.dma_semaphore, #tpu.memory_space<semaphore_mem>>) attributes {dimension_semantics = [#tpu.dimension_semantics<core_parallel>, #tpu.dimension_semantics<subcore_parallel>], iteration_bounds = array<i64: 2, 16>, scalar_prefetch = 0 : i64, scratch_operands = 10 : i64, tpu.core_type = #tpu.core_type<sc_vector_subcore>, window_params = [{transform_indices = #map}, {transform_indices = #map1}, {transform_indices = #map}]} {
    %mul3A = arith.constant 2 : i32
    %mul3A_0 = arith.muli %arg1, %mul3A : i32
    %add3A = arith.addi %mul3A_0, %arg0 : i32
    %mul3A_1 = arith.constant 128 : i32
    %mul3A_2 = arith.muli %add3A, %mul3A_1 : i32
    "tpu.region"() ({
      %run_scoped3A = tpu.sem_alloc : memref<!tpu.dma_semaphore, #tpu.memory_space<semaphore_mem>>
      %dma_start3A_77 = tpu.memref_slice %arg3[%mul3A_2] : memref<4096xi32, #tpu.memory_space<hbm>> -> memref<128xi32, #tpu.memory_space<hbm>>
      %dma_start3A_78 = tpu.memref_slice %arg3[%mul3A_2] : memref<4096xi32, #tpu.memory_space<hbm>> -> memref<128xi32, #tpu.memory_space<hbm>>
      tpu.enqueue_dma source(%dma_start3A_78 : memref<128xi32, #tpu.memory_space<hbm>>) target(%arg5 : memref<128xi32, #tpu.memory_space<vmem>>) target_semaphore(%run_scoped3A : memref<!tpu.dma_semaphore, #tpu.memory_space<semaphore_mem>>)
      %dma_wait3A_79 = tpu.memref_slice %arg3[%mul3A_2] : memref<4096xi32, #tpu.memory_space<hbm>> -> memref<128xi32, #tpu.memory_space<hbm>>
      %dma_wait3A_80 = tpu.memref_slice %arg3[%mul3A_2] : memref<4096xi32, #tpu.memory_space<hbm>> -> memref<128xi32, #tpu.memory_space<hbm>>
      tpu.wait_dma2 semaphore(%run_scoped3A : memref<!tpu.dma_semaphore, #tpu.memory_space<semaphore_mem>>) src(%dma_wait3A_80 : memref<128xi32, #tpu.memory_space<hbm>>) dst(%arg5 : memref<128xi32, #tpu.memory_space<vmem>>)
      tpu.yield
    }) : () -> ()
    %dma_start3A = arith.constant 0 : i32
    %dma_start3A_3 = tpu.memref_slice %arg5[%dma_start3A] : memref<128xi32, #tpu.memory_space<vmem>> -> memref<32xi32, #tpu.memory_space<vmem>>
    %dma_start3A_4 = arith.constant 0 : i32
    %dma_start3A_5 = arith.constant 0 : i32
    %dma_start3A_6 = tpu.memref_slice %arg2[%dma_start3A_4, %dma_start3A_5] : memref<4096x1024xf32, #tpu.memory_space<hbm>> -> memref<4096x1024xf32, #tpu.memory_space<hbm>>
    tpu.enqueue_indirect_dma source(%dma_start3A_6 : memref<4096x1024xf32, #tpu.memory_space<hbm>>) target(%arg6 : memref<32x1024xf32, #tpu.memory_space<vmem>>) offsets(%dma_start3A_3 : memref<32xi32, #tpu.memory_space<vmem>>) semaphore(%arg9 : memref<!tpu.dma_semaphore, #tpu.memory_space<semaphore_mem>>)
    %dma_start3A_7 = arith.constant 32 : i32
    %dma_start3A_8 = tpu.memref_slice %arg5[%dma_start3A_7] : memref<128xi32, #tpu.memory_space<vmem>> -> memref<32xi32, #tpu.memory_space<vmem>>
    %dma_start3A_9 = arith.constant 0 : i32
    %dma_start3A_10 = arith.constant 0 : i32
    %dma_start3A_11 = tpu.memref_slice %arg2[%dma_start3A_9, %dma_start3A_10] : memref<4096x1024xf32, #tpu.memory_space<hbm>> -> memref<4096x1024xf32, #tpu.memory_space<hbm>>
    tpu.enqueue_indirect_dma source(%dma_start3A_11 : memref<4096x1024xf32, #tpu.memory_space<hbm>>) target(%arg7 : memref<32x1024xf32, #tpu.memory_space<vmem>>) offsets(%dma_start3A_8 : memref<32xi32, #tpu.memory_space<vmem>>) semaphore(%arg10 : memref<!tpu.dma_semaphore, #tpu.memory_space<semaphore_mem>>)
    %dma_wait3A = arith.constant 0 : i32
    %dma_wait3A_12 = tpu.memref_slice %arg5[%dma_wait3A] : memref<128xi32, #tpu.memory_space<vmem>> -> memref<32xi32, #tpu.memory_space<vmem>>
    %dma_wait3A_13 = arith.constant 0 : i32
    %dma_wait3A_14 = arith.constant 0 : i32
    %dma_wait3A_15 = tpu.memref_slice %arg2[%dma_wait3A_13, %dma_wait3A_14] : memref<4096x1024xf32, #tpu.memory_space<hbm>> -> memref<4096x1024xf32, #tpu.memory_space<hbm>>
    tpu.wait_indirect_dma semaphore(%arg9 : memref<!tpu.dma_semaphore, #tpu.memory_space<semaphore_mem>>) src(%dma_wait3A_15 : memref<4096x1024xf32, #tpu.memory_space<hbm>>) dst(%arg6 : memref<32x1024xf32, #tpu.memory_space<vmem>>)
    %add3A_16 = arith.constant 0 : i32
    %add3A_17 = arith.addi %mul3A_2, %add3A_16 : i32
    %dma_start3A_18 = arith.constant 0 : i32
    %dma_start3A_19 = tpu.memref_slice %arg4[%add3A_17, %dma_start3A_18] : memref<4096x1024xf32, #tpu.memory_space<hbm>> -> memref<32x1024xf32, #tpu.memory_space<hbm>>
    %dma_start3A_20 = arith.constant 0 : i32
    %dma_start3A_21 = tpu.memref_slice %arg4[%add3A_17, %dma_start3A_20] : memref<4096x1024xf32, #tpu.memory_space<hbm>> -> memref<32x1024xf32, #tpu.memory_space<hbm>>
    tpu.enqueue_dma source(%arg6 : memref<32x1024xf32, #tpu.memory_space<vmem>>) target(%dma_start3A_21 : memref<32x1024xf32, #tpu.memory_space<hbm>>) target_semaphore(%arg12 : memref<!tpu.dma_semaphore, #tpu.memory_space<semaphore_mem>>)
    %dma_start3A_22 = arith.constant 64 : i32
    %dma_start3A_23 = tpu.memref_slice %arg5[%dma_start3A_22] : memref<128xi32, #tpu.memory_space<vmem>> -> memref<32xi32, #tpu.memory_space<vmem>>
    %dma_start3A_24 = arith.constant 0 : i32
    %dma_start3A_25 = arith.constant 0 : i32
    %dma_start3A_26 = tpu.memref_slice %arg2[%dma_start3A_24, %dma_start3A_25] : memref<4096x1024xf32, #tpu.memory_space<hbm>> -> memref<4096x1024xf32, #tpu.memory_space<hbm>>
    tpu.enqueue_indirect_dma source(%dma_start3A_26 : memref<4096x1024xf32, #tpu.memory_space<hbm>>) target(%arg8 : memref<32x1024xf32, #tpu.memory_space<vmem>>) offsets(%dma_start3A_23 : memref<32xi32, #tpu.memory_space<vmem>>) semaphore(%arg11 : memref<!tpu.dma_semaphore, #tpu.memory_space<semaphore_mem>>)
    %dma_wait3A_27 = arith.constant 32 : i32
    %dma_wait3A_28 = tpu.memref_slice %arg5[%dma_wait3A_27] : memref<128xi32, #tpu.memory_space<vmem>> -> memref<32xi32, #tpu.memory_space<vmem>>
    %dma_wait3A_29 = arith.constant 0 : i32
    %dma_wait3A_30 = arith.constant 0 : i32
    %dma_wait3A_31 = tpu.memref_slice %arg2[%dma_wait3A_29, %dma_wait3A_30] : memref<4096x1024xf32, #tpu.memory_space<hbm>> -> memref<4096x1024xf32, #tpu.memory_space<hbm>>
    tpu.wait_indirect_dma semaphore(%arg10 : memref<!tpu.dma_semaphore, #tpu.memory_space<semaphore_mem>>) src(%dma_wait3A_31 : memref<4096x1024xf32, #tpu.memory_space<hbm>>) dst(%arg7 : memref<32x1024xf32, #tpu.memory_space<vmem>>)
    %add3A_32 = arith.constant 32 : i32
    %add3A_33 = arith.addi %mul3A_2, %add3A_32 : i32
    %dma_start3A_34 = arith.constant 0 : i32
    %dma_start3A_35 = tpu.memref_slice %arg4[%add3A_33, %dma_start3A_34] : memref<4096x1024xf32, #tpu.memory_space<hbm>> -> memref<32x1024xf32, #tpu.memory_space<hbm>>
    %dma_start3A_36 = arith.constant 0 : i32
    %dma_start3A_37 = tpu.memref_slice %arg4[%add3A_33, %dma_start3A_36] : memref<4096x1024xf32, #tpu.memory_space<hbm>> -> memref<32x1024xf32, #tpu.memory_space<hbm>>
    tpu.enqueue_dma source(%arg7 : memref<32x1024xf32, #tpu.memory_space<vmem>>) target(%dma_start3A_37 : memref<32x1024xf32, #tpu.memory_space<hbm>>) target_semaphore(%arg13 : memref<!tpu.dma_semaphore, #tpu.memory_space<semaphore_mem>>)
    %dma_wait3A_38 = arith.constant 0 : i32
    %dma_wait3A_39 = tpu.memref_slice %arg4[%add3A_17, %dma_wait3A_38] : memref<4096x1024xf32, #tpu.memory_space<hbm>> -> memref<32x1024xf32, #tpu.memory_space<hbm>>
    %dma_wait3A_40 = arith.constant 0 : i32
    %dma_wait3A_41 = tpu.memref_slice %arg4[%add3A_17, %dma_wait3A_40] : memref<4096x1024xf32, #tpu.memory_space<hbm>> -> memref<32x1024xf32, #tpu.memory_space<hbm>>
    tpu.wait_dma2 semaphore(%arg12 : memref<!tpu.dma_semaphore, #tpu.memory_space<semaphore_mem>>) src(%arg6 : memref<32x1024xf32, #tpu.memory_space<vmem>>) dst(%dma_wait3A_41 : memref<32x1024xf32, #tpu.memory_space<hbm>>)
    %dma_start3A_42 = arith.constant 96 : i32
    %dma_start3A_43 = tpu.memref_slice %arg5[%dma_start3A_42] : memref<128xi32, #tpu.memory_space<vmem>> -> memref<32xi32, #tpu.memory_space<vmem>>
    %dma_start3A_44 = arith.constant 0 : i32
    %dma_start3A_45 = arith.constant 0 : i32
    %dma_start3A_46 = tpu.memref_slice %arg2[%dma_start3A_44, %dma_start3A_45] : memref<4096x1024xf32, #tpu.memory_space<hbm>> -> memref<4096x1024xf32, #tpu.memory_space<hbm>>
    tpu.enqueue_indirect_dma source(%dma_start3A_46 : memref<4096x1024xf32, #tpu.memory_space<hbm>>) target(%arg6 : memref<32x1024xf32, #tpu.memory_space<vmem>>) offsets(%dma_start3A_43 : memref<32xi32, #tpu.memory_space<vmem>>) semaphore(%arg9 : memref<!tpu.dma_semaphore, #tpu.memory_space<semaphore_mem>>)
    %dma_wait3A_47 = arith.constant 64 : i32
    %dma_wait3A_48 = tpu.memref_slice %arg5[%dma_wait3A_47] : memref<128xi32, #tpu.memory_space<vmem>> -> memref<32xi32, #tpu.memory_space<vmem>>
    %dma_wait3A_49 = arith.constant 0 : i32
    %dma_wait3A_50 = arith.constant 0 : i32
    %dma_wait3A_51 = tpu.memref_slice %arg2[%dma_wait3A_49, %dma_wait3A_50] : memref<4096x1024xf32, #tpu.memory_space<hbm>> -> memref<4096x1024xf32, #tpu.memory_space<hbm>>
    tpu.wait_indirect_dma semaphore(%arg11 : memref<!tpu.dma_semaphore, #tpu.memory_space<semaphore_mem>>) src(%dma_wait3A_51 : memref<4096x1024xf32, #tpu.memory_space<hbm>>) dst(%arg8 : memref<32x1024xf32, #tpu.memory_space<vmem>>)
    %add3A_52 = arith.constant 64 : i32
    %add3A_53 = arith.addi %mul3A_2, %add3A_52 : i32
    %dma_start3A_54 = arith.constant 0 : i32
    %dma_start3A_55 = tpu.memref_slice %arg4[%add3A_53, %dma_start3A_54] : memref<4096x1024xf32, #tpu.memory_space<hbm>> -> memref<32x1024xf32, #tpu.memory_space<hbm>>
    %dma_start3A_56 = arith.constant 0 : i32
    %dma_start3A_57 = tpu.memref_slice %arg4[%add3A_53, %dma_start3A_56] : memref<4096x1024xf32, #tpu.memory_space<hbm>> -> memref<32x1024xf32, #tpu.memory_space<hbm>>
    tpu.enqueue_dma source(%arg8 : memref<32x1024xf32, #tpu.memory_space<vmem>>) target(%dma_start3A_57 : memref<32x1024xf32, #tpu.memory_space<hbm>>) target_semaphore(%arg14 : memref<!tpu.dma_semaphore, #tpu.memory_space<semaphore_mem>>)
    %dma_wait3A_58 = arith.constant 96 : i32
    %dma_wait3A_59 = tpu.memref_slice %arg5[%dma_wait3A_58] : memref<128xi32, #tpu.memory_space<vmem>> -> memref<32xi32, #tpu.memory_space<vmem>>
    %dma_wait3A_60 = arith.constant 0 : i32
    %dma_wait3A_61 = arith.constant 0 : i32
    %dma_wait3A_62 = tpu.memref_slice %arg2[%dma_wait3A_60, %dma_wait3A_61] : memref<4096x1024xf32, #tpu.memory_space<hbm>> -> memref<4096x1024xf32, #tpu.memory_space<hbm>>
    tpu.wait_indirect_dma semaphore(%arg9 : memref<!tpu.dma_semaphore, #tpu.memory_space<semaphore_mem>>) src(%dma_wait3A_62 : memref<4096x1024xf32, #tpu.memory_space<hbm>>) dst(%arg6 : memref<32x1024xf32, #tpu.memory_space<vmem>>)
    %add3A_63 = arith.constant 96 : i32
    %add3A_64 = arith.addi %mul3A_2, %add3A_63 : i32
    %dma_start3A_65 = arith.constant 0 : i32
    %dma_start3A_66 = tpu.memref_slice %arg4[%add3A_64, %dma_start3A_65] : memref<4096x1024xf32, #tpu.memory_space<hbm>> -> memref<32x1024xf32, #tpu.memory_space<hbm>>
    %dma_start3A_67 = arith.constant 0 : i32
    %dma_start3A_68 = tpu.memref_slice %arg4[%add3A_64, %dma_start3A_67] : memref<4096x1024xf32, #tpu.memory_space<hbm>> -> memref<32x1024xf32, #tpu.memory_space<hbm>>
    tpu.enqueue_dma source(%arg6 : memref<32x1024xf32, #tpu.memory_space<vmem>>) target(%dma_start3A_68 : memref<32x1024xf32, #tpu.memory_space<hbm>>) target_semaphore(%arg12 : memref<!tpu.dma_semaphore, #tpu.memory_space<semaphore_mem>>)
    %dma_wait3A_69 = arith.constant 0 : i32
    %dma_wait3A_70 = tpu.memref_slice %arg4[%add3A_53, %dma_wait3A_69] : memref<4096x1024xf32, #tpu.memory_space<hbm>> -> memref<32x1024xf32, #tpu.memory_space<hbm>>
    %dma_wait3A_71 = arith.constant 0 : i32
    %dma_wait3A_72 = tpu.memref_slice %arg4[%add3A_53, %dma_wait3A_71] : memref<4096x1024xf32, #tpu.memory_space<hbm>> -> memref<32x1024xf32, #tpu.memory_space<hbm>>
    tpu.wait_dma2 semaphore(%arg14 : memref<!tpu.dma_semaphore, #tpu.memory_space<semaphore_mem>>) src(%arg8 : memref<32x1024xf32, #tpu.memory_space<vmem>>) dst(%dma_wait3A_72 : memref<32x1024xf32, #tpu.memory_space<hbm>>)
    %dma_wait3A_73 = arith.constant 0 : i32
    %dma_wait3A_74 = tpu.memref_slice %arg4[%add3A_64, %dma_wait3A_73] : memref<4096x1024xf32, #tpu.memory_space<hbm>> -> memref<32x1024xf32, #tpu.memory_space<hbm>>
    %dma_wait3A_75 = arith.constant 0 : i32
    %dma_wait3A_76 = tpu.memref_slice %arg4[%add3A_64, %dma_wait3A_75] : memref<4096x1024xf32, #tpu.memory_space<hbm>> -> memref<32x1024xf32, #tpu.memory_space<hbm>>
    tpu.wait_dma2 semaphore(%arg12 : memref<!tpu.dma_semaphore, #tpu.memory_space<semaphore_mem>>) src(%arg6 : memref<32x1024xf32, #tpu.memory_space<vmem>>) dst(%dma_wait3A_76 : memref<32x1024xf32, #tpu.memory_space<hbm>>)
    return
  }
}

#map = affine_map<(d0, d1) -> (0, 0)>
#map1 = affine_map<(d0, d1) -> (0)>
module attributes {stable_mosaic.version = 14 : i64} {
  func.func @_dispatch_body(%arg0: i32, %arg1: i32, %arg2: memref<4096x1024xf32, #tpu.memory_space<hbm>>, %arg3: memref<4096xi32, #tpu.memory_space<hbm>>, %arg4: memref<4096xf32, #tpu.memory_space<hbm>>, %arg5: memref<4096x1024xf32, #tpu.memory_space<hbm>>, %arg6: memref<4096xf32, #tpu.memory_space<hbm>>, %arg7: memref<4096xi32, #tpu.memory_space<vmem>>, %arg8: memref<4112xf32, #tpu.memory_space<vmem>>, %arg9: memref<128xi32, #tpu.memory_space<vmem>>, %arg10: memref<128xf32, #tpu.memory_space<vmem>>, %arg11: memref<32x1024xf32, #tpu.memory_space<vmem>>, %arg12: memref<32x1024xf32, #tpu.memory_space<vmem>>, %arg13: memref<32x1024xf32, #tpu.memory_space<vmem>>, %arg14: memref<!tpu.dma_semaphore, #tpu.memory_space<semaphore_mem>>, %arg15: memref<!tpu.dma_semaphore, #tpu.memory_space<semaphore_mem>>, %arg16: memref<!tpu.dma_semaphore, #tpu.memory_space<semaphore_mem>>, %arg17: memref<!tpu.dma_semaphore, #tpu.memory_space<semaphore_mem>>, %arg18: memref<!tpu.dma_semaphore, #tpu.memory_space<semaphore_mem>>, %arg19: memref<!tpu.dma_semaphore, #tpu.memory_space<semaphore_mem>>) attributes {dimension_semantics = [#tpu.dimension_semantics<core_parallel>, #tpu.dimension_semantics<subcore_parallel>], iteration_bounds = array<i64: 2, 16>, scalar_prefetch = 0 : i64, scratch_operands = 13 : i64, tpu.core_type = #tpu.core_type<sc_vector_subcore>, window_params = [{transform_indices = #map}, {transform_indices = #map1}, {transform_indices = #map1}, {transform_indices = #map}, {transform_indices = #map1}]} {
    %mul3A = arith.constant 2 : i32
    %mul3A_0 = arith.muli %arg1, %mul3A : i32
    %add3A = arith.addi %mul3A_0, %arg0 : i32
    %mul3A_1 = arith.constant 128 : i32
    %mul3A_2 = arith.muli %add3A, %mul3A_1 : i32
    "tpu.region"() ({
      %run_scoped3A = tpu.sem_alloc : memref<!tpu.dma_semaphore, #tpu.memory_space<semaphore_mem>>
      tpu.enqueue_dma source(%arg3 : memref<4096xi32, #tpu.memory_space<hbm>>) target(%arg7 : memref<4096xi32, #tpu.memory_space<vmem>>) target_semaphore(%run_scoped3A : memref<!tpu.dma_semaphore, #tpu.memory_space<semaphore_mem>>)
      tpu.wait_dma2 semaphore(%run_scoped3A : memref<!tpu.dma_semaphore, #tpu.memory_space<semaphore_mem>>) src(%arg3 : memref<4096xi32, #tpu.memory_space<hbm>>) dst(%arg7 : memref<4096xi32, #tpu.memory_space<vmem>>)
      tpu.yield
    }) : () -> ()
    "tpu.region"() ({
      %run_scoped3A = tpu.sem_alloc : memref<!tpu.dma_semaphore, #tpu.memory_space<semaphore_mem>>
      %dma_start3A_155 = arith.constant 0 : i32
      %dma_start3A_156 = tpu.memref_slice %arg8[%dma_start3A_155] : memref<4112xf32, #tpu.memory_space<vmem>> -> memref<4096xf32, #tpu.memory_space<vmem>>
      %dma_start3A_157 = arith.constant 0 : i32
      %dma_start3A_158 = tpu.memref_slice %arg8[%dma_start3A_157] : memref<4112xf32, #tpu.memory_space<vmem>> -> memref<4096xf32, #tpu.memory_space<vmem>>
      tpu.enqueue_dma source(%arg4 : memref<4096xf32, #tpu.memory_space<hbm>>) target(%dma_start3A_158 : memref<4096xf32, #tpu.memory_space<vmem>>) target_semaphore(%run_scoped3A : memref<!tpu.dma_semaphore, #tpu.memory_space<semaphore_mem>>)
      %dma_wait3A_159 = arith.constant 0 : i32
      %dma_wait3A_160 = tpu.memref_slice %arg8[%dma_wait3A_159] : memref<4112xf32, #tpu.memory_space<vmem>> -> memref<4096xf32, #tpu.memory_space<vmem>>
      %dma_wait3A_161 = arith.constant 0 : i32
      %dma_wait3A_162 = tpu.memref_slice %arg8[%dma_wait3A_161] : memref<4112xf32, #tpu.memory_space<vmem>> -> memref<4096xf32, #tpu.memory_space<vmem>>
      tpu.wait_dma2 semaphore(%run_scoped3A : memref<!tpu.dma_semaphore, #tpu.memory_space<semaphore_mem>>) src(%arg4 : memref<4096xf32, #tpu.memory_space<hbm>>) dst(%dma_wait3A_162 : memref<4096xf32, #tpu.memory_space<vmem>>)
      tpu.yield
    }) : () -> ()
    %broadcast_in_dim3A = arith.constant 0.000000e+00 : f32
    %broadcast_in_dim3A_3 = vector.broadcast %broadcast_in_dim3A : f32 to vector<16xf32>
    %swap3A = arith.constant 4096 : index
    %swap3A_4 = tpu.vector_load %arg8[%swap3A] {strides = array<i32>} : memref<4112xf32, #tpu.memory_space<vmem>>, vector<16xf32>,
    tpu.vector_store %arg8[%swap3A], %broadcast_in_dim3A_3 {strides = array<i32>} : memref<4112xf32, #tpu.memory_space<vmem>>, vector<16xf32>,
    %broadcast_in_dim3A_5 = arith.constant 4096 : i32
    %broadcast_in_dim3A_6 = vector.broadcast %broadcast_in_dim3A_5 : i32 to vector<16xi32>
    %swap3A_7 = arith.constant 0 : index
    %swap3A_8 = tpu.vector_load %arg9[%swap3A_7] {strides = array<i32>} : memref<128xi32, #tpu.memory_space<vmem>>, vector<16xi32>,
    tpu.vector_store %arg9[%swap3A_7], %broadcast_in_dim3A_6 {strides = array<i32>} : memref<128xi32, #tpu.memory_space<vmem>>, vector<16xi32>,
    %broadcast_in_dim3A_9 = arith.constant 4096 : i32
    %broadcast_in_dim3A_10 = vector.broadcast %broadcast_in_dim3A_9 : i32 to vector<16xi32>
    %swap3A_11 = arith.constant 16 : index
    %swap3A_12 = tpu.vector_load %arg9[%swap3A_11] {strides = array<i32>} : memref<128xi32, #tpu.memory_space<vmem>>, vector<16xi32>,
    tpu.vector_store %arg9[%swap3A_11], %broadcast_in_dim3A_10 {strides = array<i32>} : memref<128xi32, #tpu.memory_space<vmem>>, vector<16xi32>,
    %broadcast_in_dim3A_13 = arith.constant 4096 : i32
    %broadcast_in_dim3A_14 = vector.broadcast %broadcast_in_dim3A_13 : i32 to vector<16xi32>
    %swap3A_15 = arith.constant 32 : index
    %swap3A_16 = tpu.vector_load %arg9[%swap3A_15] {strides = array<i32>} : memref<128xi32, #tpu.memory_space<vmem>>, vector<16xi32>,
    tpu.vector_store %arg9[%swap3A_15], %broadcast_in_dim3A_14 {strides = array<i32>} : memref<128xi32, #tpu.memory_space<vmem>>, vector<16xi32>,
    %broadcast_in_dim3A_17 = arith.constant 4096 : i32
    %broadcast_in_dim3A_18 = vector.broadcast %broadcast_in_dim3A_17 : i32 to vector<16xi32>
    %swap3A_19 = arith.constant 48 : index
    %swap3A_20 = tpu.vector_load %arg9[%swap3A_19] {strides = array<i32>} : memref<128xi32, #tpu.memory_space<vmem>>, vector<16xi32>,
    tpu.vector_store %arg9[%swap3A_19], %broadcast_in_dim3A_18 {strides = array<i32>} : memref<128xi32, #tpu.memory_space<vmem>>, vector<16xi32>,
    %broadcast_in_dim3A_21 = arith.constant 4096 : i32
    %broadcast_in_dim3A_22 = vector.broadcast %broadcast_in_dim3A_21 : i32 to vector<16xi32>
    %swap3A_23 = arith.constant 64 : index
    %swap3A_24 = tpu.vector_load %arg9[%swap3A_23] {strides = array<i32>} : memref<128xi32, #tpu.memory_space<vmem>>, vector<16xi32>,
    tpu.vector_store %arg9[%swap3A_23], %broadcast_in_dim3A_22 {strides = array<i32>} : memref<128xi32, #tpu.memory_space<vmem>>, vector<16xi32>,
    %broadcast_in_dim3A_25 = arith.constant 4096 : i32
    %broadcast_in_dim3A_26 = vector.broadcast %broadcast_in_dim3A_25 : i32 to vector<16xi32>
    %swap3A_27 = arith.constant 80 : index
    %swap3A_28 = tpu.vector_load %arg9[%swap3A_27] {strides = array<i32>} : memref<128xi32, #tpu.memory_space<vmem>>, vector<16xi32>,
    tpu.vector_store %arg9[%swap3A_27], %broadcast_in_dim3A_26 {strides = array<i32>} : memref<128xi32, #tpu.memory_space<vmem>>, vector<16xi32>,
    %broadcast_in_dim3A_29 = arith.constant 4096 : i32
    %broadcast_in_dim3A_30 = vector.broadcast %broadcast_in_dim3A_29 : i32 to vector<16xi32>
    %swap3A_31 = arith.constant 96 : index
    %swap3A_32 = tpu.vector_load %arg9[%swap3A_31] {strides = array<i32>} : memref<128xi32, #tpu.memory_space<vmem>>, vector<16xi32>,
    tpu.vector_store %arg9[%swap3A_31], %broadcast_in_dim3A_30 {strides = array<i32>} : memref<128xi32, #tpu.memory_space<vmem>>, vector<16xi32>,
    %broadcast_in_dim3A_33 = arith.constant 4096 : i32
    %broadcast_in_dim3A_34 = vector.broadcast %broadcast_in_dim3A_33 : i32 to vector<16xi32>
    %swap3A_35 = arith.constant 112 : index
    %swap3A_36 = tpu.vector_load %arg9[%swap3A_35] {strides = array<i32>} : memref<128xi32, #tpu.memory_space<vmem>>, vector<16xi32>,
    tpu.vector_store %arg9[%swap3A_35], %broadcast_in_dim3A_34 {strides = array<i32>} : memref<128xi32, #tpu.memory_space<vmem>>, vector<16xi32>,
    %iota3A = tpu.iota {dimensions = array<i32: 0>} : vector<16xi32>
    %scan3A = arith.constant 0 : i32
    %scan3A_37 = arith.constant 0 : i32
    %scan3A_38 = arith.constant 128 : i32
    %scan3A_39 = arith.addi %scan3A_37, %scan3A_38 : i32
    %scan3A_40 = arith.constant 1 : i32
    %scan3A_41 = scf.for %scan3A_155 = %scan3A_37 to %scan3A_39 step %scan3A_40 iter_args(%scan3A_156 = %scan3A) -> (i32)  : i32 {
      %mul3A_157 = arith.constant 32 : i32
      %mul3A_158 = arith.muli %scan3A_155, %mul3A_157 : i32
      %add3A_159 = arith.constant 0 : i32
      %add3A_160 = arith.addi %mul3A_158, %add3A_159 : i32
      %get3A_161 = arith.index_cast %add3A_160 : i32 to index
      %get3A_162 = tpu.vector_load %arg7[%get3A_161] {strides = array<i32>} : memref<4096xi32, #tpu.memory_space<vmem>>, vector<16xi32>,
      %add3A_163 = vector.broadcast %add3A_160 : i32 to vector<16xi32>
      %add3A_164 = arith.addi %iota3A, %add3A_163 : vector<16xi32>
      %sub3A = vector.broadcast %mul3A_2 : i32 to vector<16xi32>
      %sub3A_165 = arith.subi %get3A_162, %sub3A : vector<16xi32>
      %ge3A = arith.constant 0 : i32
      %ge3A_166 = vector.broadcast %ge3A : i32 to vector<16xi32>
      %ge3A_167 = arith.cmpi sge, %sub3A_165, %ge3A_166 : vector<16xi32>
      %lt3A = arith.constant 128 : i32
      %lt3A_168 = vector.broadcast %lt3A : i32 to vector<16xi32>
      %lt3A_169 = arith.cmpi slt, %sub3A_165, %lt3A_168 : vector<16xi32>
      %and3A = arith.andi %ge3A_167, %lt3A_169 : vector<16xi1>
      %jit3A = arith.constant 0 : i32
      %jit3A_170 = arith.constant 127 : i32
      %max3A = vector.broadcast %jit3A : i32 to vector<16xi32>
      %max3A_171 = arith.maxsi %max3A, %sub3A_165 : vector<16xi32>
      %min3A = vector.broadcast %jit3A_170 : i32 to vector<16xi32>
      %min3A_172 = arith.minsi %min3A, %max3A_171 : vector<16xi32>
      tpu.vector_store_idx %arg9[%min3A_172], %add3A_164 masked %and3A : memref<128xi32, #tpu.memory_space<vmem>>[vector<16xi32>], vector<16xi32>, vector<16xi1>
      %mul3A_173 = arith.constant 32 : i32
      %mul3A_174 = arith.muli %scan3A_155, %mul3A_173 : i32
      %add3A_175 = arith.constant 16 : i32
      %add3A_176 = arith.addi %mul3A_174, %add3A_175 : i32
      %get3A_177 = arith.index_cast %add3A_176 : i32 to index
      %get3A_178 = tpu.vector_load %arg7[%get3A_177] {strides = array<i32>} : memref<4096xi32, #tpu.memory_space<vmem>>, vector<16xi32>,
      %add3A_179 = vector.broadcast %add3A_176 : i32 to vector<16xi32>
      %add3A_180 = arith.addi %iota3A, %add3A_179 : vector<16xi32>
      %sub3A_181 = vector.broadcast %mul3A_2 : i32 to vector<16xi32>
      %sub3A_182 = arith.subi %get3A_178, %sub3A_181 : vector<16xi32>
      %ge3A_183 = arith.constant 0 : i32
      %ge3A_184 = vector.broadcast %ge3A_183 : i32 to vector<16xi32>
      %ge3A_185 = arith.cmpi sge, %sub3A_182, %ge3A_184 : vector<16xi32>
      %lt3A_186 = arith.constant 128 : i32
      %lt3A_187 = vector.broadcast %lt3A_186 : i32 to vector<16xi32>
      %lt3A_188 = arith.cmpi slt, %sub3A_182, %lt3A_187 : vector<16xi32>
      %and3A_189 = arith.andi %ge3A_185, %lt3A_188 : vector<16xi1>
      %jit3A_190 = arith.constant 0 : i32
      %jit3A_191 = arith.constant 127 : i32
      %max3A_192 = vector.broadcast %jit3A_190 : i32 to vector<16xi32>
      %max3A_193 = arith.maxsi %max3A_192, %sub3A_182 : vector<16xi32>
      %min3A_194 = vector.broadcast %jit3A_191 : i32 to vector<16xi32>
      %min3A_195 = arith.minsi %min3A_194, %max3A_193 : vector<16xi32>
      tpu.vector_store_idx %arg9[%min3A_195], %add3A_180 masked %and3A_189 : memref<128xi32, #tpu.memory_space<vmem>>[vector<16xi32>], vector<16xi32>, vector<16xi1>
      %scan3A_196 = arith.constant 0 : i32
      scf.yield %scan3A_196 : i32
    }
    %scan3A_42 = arith.constant 128 : i32
    %get3A = arith.constant 0 : index
    %get3A_43 = tpu.vector_load %arg9[%get3A] {strides = array<i32>} : memref<128xi32, #tpu.memory_space<vmem>>, vector<16xi32>,
    %gather3A = tpu.vector_load_idx %arg8[%get3A_43] : memref<4112xf32, #tpu.memory_space<vmem>>[vector<16xi32>], vector<16xf32>,
    %swap3A_44 = arith.constant 0 : index
    %swap3A_45 = tpu.vector_load %arg10[%swap3A_44] {strides = array<i32>} : memref<128xf32, #tpu.memory_space<vmem>>, vector<16xf32>,
    tpu.vector_store %arg10[%swap3A_44], %gather3A {strides = array<i32>} : memref<128xf32, #tpu.memory_space<vmem>>, vector<16xf32>,
    %get3A_46 = arith.constant 16 : index
    %get3A_47 = tpu.vector_load %arg9[%get3A_46] {strides = array<i32>} : memref<128xi32, #tpu.memory_space<vmem>>, vector<16xi32>,
    %gather3A_48 = tpu.vector_load_idx %arg8[%get3A_47] : memref<4112xf32, #tpu.memory_space<vmem>>[vector<16xi32>], vector<16xf32>,
    %swap3A_49 = arith.constant 16 : index
    %swap3A_50 = tpu.vector_load %arg10[%swap3A_49] {strides = array<i32>} : memref<128xf32, #tpu.memory_space<vmem>>, vector<16xf32>,
    tpu.vector_store %arg10[%swap3A_49], %gather3A_48 {strides = array<i32>} : memref<128xf32, #tpu.memory_space<vmem>>, vector<16xf32>,
    %get3A_51 = arith.constant 32 : index
    %get3A_52 = tpu.vector_load %arg9[%get3A_51] {strides = array<i32>} : memref<128xi32, #tpu.memory_space<vmem>>, vector<16xi32>,
    %gather3A_53 = tpu.vector_load_idx %arg8[%get3A_52] : memref<4112xf32, #tpu.memory_space<vmem>>[vector<16xi32>], vector<16xf32>,
    %swap3A_54 = arith.constant 32 : index
    %swap3A_55 = tpu.vector_load %arg10[%swap3A_54] {strides = array<i32>} : memref<128xf32, #tpu.memory_space<vmem>>, vector<16xf32>,
    tpu.vector_store %arg10[%swap3A_54], %gather3A_53 {strides = array<i32>} : memref<128xf32, #tpu.memory_space<vmem>>, vector<16xf32>,
    %get3A_56 = arith.constant 48 : index
    %get3A_57 = tpu.vector_load %arg9[%get3A_56] {strides = array<i32>} : memref<128xi32, #tpu.memory_space<vmem>>, vector<16xi32>,
    %gather3A_58 = tpu.vector_load_idx %arg8[%get3A_57] : memref<4112xf32, #tpu.memory_space<vmem>>[vector<16xi32>], vector<16xf32>,
    %swap3A_59 = arith.constant 48 : index
    %swap3A_60 = tpu.vector_load %arg10[%swap3A_59] {strides = array<i32>} : memref<128xf32, #tpu.memory_space<vmem>>, vector<16xf32>,
    tpu.vector_store %arg10[%swap3A_59], %gather3A_58 {strides = array<i32>} : memref<128xf32, #tpu.memory_space<vmem>>, vector<16xf32>,
    %get3A_61 = arith.constant 64 : index
    %get3A_62 = tpu.vector_load %arg9[%get3A_61] {strides = array<i32>} : memref<128xi32, #tpu.memory_space<vmem>>, vector<16xi32>,
    %gather3A_63 = tpu.vector_load_idx %arg8[%get3A_62] : memref<4112xf32, #tpu.memory_space<vmem>>[vector<16xi32>], vector<16xf32>,
    %swap3A_64 = arith.constant 64 : index
    %swap3A_65 = tpu.vector_load %arg10[%swap3A_64] {strides = array<i32>} : memref<128xf32, #tpu.memory_space<vmem>>, vector<16xf32>,
    tpu.vector_store %arg10[%swap3A_64], %gather3A_63 {strides = array<i32>} : memref<128xf32, #tpu.memory_space<vmem>>, vector<16xf32>,
    %get3A_66 = arith.constant 80 : index
    %get3A_67 = tpu.vector_load %arg9[%get3A_66] {strides = array<i32>} : memref<128xi32, #tpu.memory_space<vmem>>, vector<16xi32>,
    %gather3A_68 = tpu.vector_load_idx %arg8[%get3A_67] : memref<4112xf32, #tpu.memory_space<vmem>>[vector<16xi32>], vector<16xf32>,
    %swap3A_69 = arith.constant 80 : index
    %swap3A_70 = tpu.vector_load %arg10[%swap3A_69] {strides = array<i32>} : memref<128xf32, #tpu.memory_space<vmem>>, vector<16xf32>,
    tpu.vector_store %arg10[%swap3A_69], %gather3A_68 {strides = array<i32>} : memref<128xf32, #tpu.memory_space<vmem>>, vector<16xf32>,
    %get3A_71 = arith.constant 96 : index
    %get3A_72 = tpu.vector_load %arg9[%get3A_71] {strides = array<i32>} : memref<128xi32, #tpu.memory_space<vmem>>, vector<16xi32>,
    %gather3A_73 = tpu.vector_load_idx %arg8[%get3A_72] : memref<4112xf32, #tpu.memory_space<vmem>>[vector<16xi32>], vector<16xf32>,
    %swap3A_74 = arith.constant 96 : index
    %swap3A_75 = tpu.vector_load %arg10[%swap3A_74] {strides = array<i32>} : memref<128xf32, #tpu.memory_space<vmem>>, vector<16xf32>,
    tpu.vector_store %arg10[%swap3A_74], %gather3A_73 {strides = array<i32>} : memref<128xf32, #tpu.memory_space<vmem>>, vector<16xf32>,
    %get3A_76 = arith.constant 112 : index
    %get3A_77 = tpu.vector_load %arg9[%get3A_76] {strides = array<i32>} : memref<128xi32, #tpu.memory_space<vmem>>, vector<16xi32>,
    %gather3A_78 = tpu.vector_load_idx %arg8[%get3A_77] : memref<4112xf32, #tpu.memory_space<vmem>>[vector<16xi32>], vector<16xf32>,
    %swap3A_79 = arith.constant 112 : index
    %swap3A_80 = tpu.vector_load %arg10[%swap3A_79] {strides = array<i32>} : memref<128xf32, #tpu.memory_space<vmem>>, vector<16xf32>,
    tpu.vector_store %arg10[%swap3A_79], %gather3A_78 {strides = array<i32>} : memref<128xf32, #tpu.memory_space<vmem>>, vector<16xf32>,
    "tpu.region"() ({
      %run_scoped3A = tpu.sem_alloc : memref<!tpu.dma_semaphore, #tpu.memory_space<semaphore_mem>>
      %dma_start3A_155 = tpu.memref_slice %arg6[%mul3A_2] : memref<4096xf32, #tpu.memory_space<hbm>> -> memref<128xf32, #tpu.memory_space<hbm>>
      %dma_start3A_156 = tpu.memref_slice %arg6[%mul3A_2] : memref<4096xf32, #tpu.memory_space<hbm>> -> memref<128xf32, #tpu.memory_space<hbm>>
      tpu.enqueue_dma source(%arg10 : memref<128xf32, #tpu.memory_space<vmem>>) target(%dma_start3A_156 : memref<128xf32, #tpu.memory_space<hbm>>) target_semaphore(%run_scoped3A : memref<!tpu.dma_semaphore, #tpu.memory_space<semaphore_mem>>)
      %dma_wait3A_157 = tpu.memref_slice %arg6[%mul3A_2] : memref<4096xf32, #tpu.memory_space<hbm>> -> memref<128xf32, #tpu.memory_space<hbm>>
      %dma_wait3A_158 = tpu.memref_slice %arg6[%mul3A_2] : memref<4096xf32, #tpu.memory_space<hbm>> -> memref<128xf32, #tpu.memory_space<hbm>>
      tpu.wait_dma2 semaphore(%run_scoped3A : memref<!tpu.dma_semaphore, #tpu.memory_space<semaphore_mem>>) src(%arg10 : memref<128xf32, #tpu.memory_space<vmem>>) dst(%dma_wait3A_158 : memref<128xf32, #tpu.memory_space<hbm>>)
      tpu.yield
    }) : () -> ()
    %dma_start3A = arith.constant 0 : i32
    %dma_start3A_81 = tpu.memref_slice %arg9[%dma_start3A] : memref<128xi32, #tpu.memory_space<vmem>> -> memref<32xi32, #tpu.memory_space<vmem>>
    %dma_start3A_82 = arith.constant 0 : i32
    %dma_start3A_83 = arith.constant 0 : i32
    %dma_start3A_84 = tpu.memref_slice %arg2[%dma_start3A_82, %dma_start3A_83] : memref<4096x1024xf32, #tpu.memory_space<hbm>> -> memref<4096x1024xf32, #tpu.memory_space<hbm>>
    tpu.enqueue_indirect_dma source(%dma_start3A_84 : memref<4096x1024xf32, #tpu.memory_space<hbm>>) target(%arg11 : memref<32x1024xf32, #tpu.memory_space<vmem>>) offsets(%dma_start3A_81 : memref<32xi32, #tpu.memory_space<vmem>>) semaphore(%arg14 : memref<!tpu.dma_semaphore, #tpu.memory_space<semaphore_mem>>)
    %dma_start3A_85 = arith.constant 32 : i32
    %dma_start3A_86 = tpu.memref_slice %arg9[%dma_start3A_85] : memref<128xi32, #tpu.memory_space<vmem>> -> memref<32xi32, #tpu.memory_space<vmem>>
    %dma_start3A_87 = arith.constant 0 : i32
    %dma_start3A_88 = arith.constant 0 : i32
    %dma_start3A_89 = tpu.memref_slice %arg2[%dma_start3A_87, %dma_start3A_88] : memref<4096x1024xf32, #tpu.memory_space<hbm>> -> memref<4096x1024xf32, #tpu.memory_space<hbm>>
    tpu.enqueue_indirect_dma source(%dma_start3A_89 : memref<4096x1024xf32, #tpu.memory_space<hbm>>) target(%arg12 : memref<32x1024xf32, #tpu.memory_space<vmem>>) offsets(%dma_start3A_86 : memref<32xi32, #tpu.memory_space<vmem>>) semaphore(%arg15 : memref<!tpu.dma_semaphore, #tpu.memory_space<semaphore_mem>>)
    %dma_wait3A = arith.constant 0 : i32
    %dma_wait3A_90 = tpu.memref_slice %arg9[%dma_wait3A] : memref<128xi32, #tpu.memory_space<vmem>> -> memref<32xi32, #tpu.memory_space<vmem>>
    %dma_wait3A_91 = arith.constant 0 : i32
    %dma_wait3A_92 = arith.constant 0 : i32
    %dma_wait3A_93 = tpu.memref_slice %arg2[%dma_wait3A_91, %dma_wait3A_92] : memref<4096x1024xf32, #tpu.memory_space<hbm>> -> memref<4096x1024xf32, #tpu.memory_space<hbm>>
    tpu.wait_indirect_dma semaphore(%arg14 : memref<!tpu.dma_semaphore, #tpu.memory_space<semaphore_mem>>) src(%dma_wait3A_93 : memref<4096x1024xf32, #tpu.memory_space<hbm>>) dst(%arg11 : memref<32x1024xf32, #tpu.memory_space<vmem>>)
    %add3A_94 = arith.constant 0 : i32
    %add3A_95 = arith.addi %mul3A_2, %add3A_94 : i32
    %dma_start3A_96 = arith.constant 0 : i32
    %dma_start3A_97 = tpu.memref_slice %arg5[%add3A_95, %dma_start3A_96] : memref<4096x1024xf32, #tpu.memory_space<hbm>> -> memref<32x1024xf32, #tpu.memory_space<hbm>>
    %dma_start3A_98 = arith.constant 0 : i32
    %dma_start3A_99 = tpu.memref_slice %arg5[%add3A_95, %dma_start3A_98] : memref<4096x1024xf32, #tpu.memory_space<hbm>> -> memref<32x1024xf32, #tpu.memory_space<hbm>>
    tpu.enqueue_dma source(%arg11 : memref<32x1024xf32, #tpu.memory_space<vmem>>) target(%dma_start3A_99 : memref<32x1024xf32, #tpu.memory_space<hbm>>) target_semaphore(%arg17 : memref<!tpu.dma_semaphore, #tpu.memory_space<semaphore_mem>>)
    %dma_start3A_100 = arith.constant 64 : i32
    %dma_start3A_101 = tpu.memref_slice %arg9[%dma_start3A_100] : memref<128xi32, #tpu.memory_space<vmem>> -> memref<32xi32, #tpu.memory_space<vmem>>
    %dma_start3A_102 = arith.constant 0 : i32
    %dma_start3A_103 = arith.constant 0 : i32
    %dma_start3A_104 = tpu.memref_slice %arg2[%dma_start3A_102, %dma_start3A_103] : memref<4096x1024xf32, #tpu.memory_space<hbm>> -> memref<4096x1024xf32, #tpu.memory_space<hbm>>
    tpu.enqueue_indirect_dma source(%dma_start3A_104 : memref<4096x1024xf32, #tpu.memory_space<hbm>>) target(%arg13 : memref<32x1024xf32, #tpu.memory_space<vmem>>) offsets(%dma_start3A_101 : memref<32xi32, #tpu.memory_space<vmem>>) semaphore(%arg16 : memref<!tpu.dma_semaphore, #tpu.memory_space<semaphore_mem>>)
    %dma_wait3A_105 = arith.constant 32 : i32
    %dma_wait3A_106 = tpu.memref_slice %arg9[%dma_wait3A_105] : memref<128xi32, #tpu.memory_space<vmem>> -> memref<32xi32, #tpu.memory_space<vmem>>
    %dma_wait3A_107 = arith.constant 0 : i32
    %dma_wait3A_108 = arith.constant 0 : i32
    %dma_wait3A_109 = tpu.memref_slice %arg2[%dma_wait3A_107, %dma_wait3A_108] : memref<4096x1024xf32, #tpu.memory_space<hbm>> -> memref<4096x1024xf32, #tpu.memory_space<hbm>>
    tpu.wait_indirect_dma semaphore(%arg15 : memref<!tpu.dma_semaphore, #tpu.memory_space<semaphore_mem>>) src(%dma_wait3A_109 : memref<4096x1024xf32, #tpu.memory_space<hbm>>) dst(%arg12 : memref<32x1024xf32, #tpu.memory_space<vmem>>)
    %add3A_110 = arith.constant 32 : i32
    %add3A_111 = arith.addi %mul3A_2, %add3A_110 : i32
    %dma_start3A_112 = arith.constant 0 : i32
    %dma_start3A_113 = tpu.memref_slice %arg5[%add3A_111, %dma_start3A_112] : memref<4096x1024xf32, #tpu.memory_space<hbm>> -> memref<32x1024xf32, #tpu.memory_space<hbm>>
    %dma_start3A_114 = arith.constant 0 : i32
    %dma_start3A_115 = tpu.memref_slice %arg5[%add3A_111, %dma_start3A_114] : memref<4096x1024xf32, #tpu.memory_space<hbm>> -> memref<32x1024xf32, #tpu.memory_space<hbm>>
    tpu.enqueue_dma source(%arg12 : memref<32x1024xf32, #tpu.memory_space<vmem>>) target(%dma_start3A_115 : memref<32x1024xf32, #tpu.memory_space<hbm>>) target_semaphore(%arg18 : memref<!tpu.dma_semaphore, #tpu.memory_space<semaphore_mem>>)
    %dma_wait3A_116 = arith.constant 0 : i32
    %dma_wait3A_117 = tpu.memref_slice %arg5[%add3A_95, %dma_wait3A_116] : memref<4096x1024xf32, #tpu.memory_space<hbm>> -> memref<32x1024xf32, #tpu.memory_space<hbm>>
    %dma_wait3A_118 = arith.constant 0 : i32
    %dma_wait3A_119 = tpu.memref_slice %arg5[%add3A_95, %dma_wait3A_118] : memref<4096x1024xf32, #tpu.memory_space<hbm>> -> memref<32x1024xf32, #tpu.memory_space<hbm>>
    tpu.wait_dma2 semaphore(%arg17 : memref<!tpu.dma_semaphore, #tpu.memory_space<semaphore_mem>>) src(%arg11 : memref<32x1024xf32, #tpu.memory_space<vmem>>) dst(%dma_wait3A_119 : memref<32x1024xf32, #tpu.memory_space<hbm>>)
    %dma_start3A_120 = arith.constant 96 : i32
    %dma_start3A_121 = tpu.memref_slice %arg9[%dma_start3A_120] : memref<128xi32, #tpu.memory_space<vmem>> -> memref<32xi32, #tpu.memory_space<vmem>>
    %dma_start3A_122 = arith.constant 0 : i32
    %dma_start3A_123 = arith.constant 0 : i32
    %dma_start3A_124 = tpu.memref_slice %arg2[%dma_start3A_122, %dma_start3A_123] : memref<4096x1024xf32, #tpu.memory_space<hbm>> -> memref<4096x1024xf32, #tpu.memory_space<hbm>>
    tpu.enqueue_indirect_dma source(%dma_start3A_124 : memref<4096x1024xf32, #tpu.memory_space<hbm>>) target(%arg11 : memref<32x1024xf32, #tpu.memory_space<vmem>>) offsets(%dma_start3A_121 : memref<32xi32, #tpu.memory_space<vmem>>) semaphore(%arg14 : memref<!tpu.dma_semaphore, #tpu.memory_space<semaphore_mem>>)
    %dma_wait3A_125 = arith.constant 64 : i32
    %dma_wait3A_126 = tpu.memref_slice %arg9[%dma_wait3A_125] : memref<128xi32, #tpu.memory_space<vmem>> -> memref<32xi32, #tpu.memory_space<vmem>>
    %dma_wait3A_127 = arith.constant 0 : i32
    %dma_wait3A_128 = arith.constant 0 : i32
    %dma_wait3A_129 = tpu.memref_slice %arg2[%dma_wait3A_127, %dma_wait3A_128] : memref<4096x1024xf32, #tpu.memory_space<hbm>> -> memref<4096x1024xf32, #tpu.memory_space<hbm>>
    tpu.wait_indirect_dma semaphore(%arg16 : memref<!tpu.dma_semaphore, #tpu.memory_space<semaphore_mem>>) src(%dma_wait3A_129 : memref<4096x1024xf32, #tpu.memory_space<hbm>>) dst(%arg13 : memref<32x1024xf32, #tpu.memory_space<vmem>>)
    %add3A_130 = arith.constant 64 : i32
    %add3A_131 = arith.addi %mul3A_2, %add3A_130 : i32
    %dma_start3A_132 = arith.constant 0 : i32
    %dma_start3A_133 = tpu.memref_slice %arg5[%add3A_131, %dma_start3A_132] : memref<4096x1024xf32, #tpu.memory_space<hbm>> -> memref<32x1024xf32, #tpu.memory_space<hbm>>
    %dma_start3A_134 = arith.constant 0 : i32
    %dma_start3A_135 = tpu.memref_slice %arg5[%add3A_131, %dma_start3A_134] : memref<4096x1024xf32, #tpu.memory_space<hbm>> -> memref<32x1024xf32, #tpu.memory_space<hbm>>
    tpu.enqueue_dma source(%arg13 : memref<32x1024xf32, #tpu.memory_space<vmem>>) target(%dma_start3A_135 : memref<32x1024xf32, #tpu.memory_space<hbm>>) target_semaphore(%arg19 : memref<!tpu.dma_semaphore, #tpu.memory_space<semaphore_mem>>)
    %dma_wait3A_136 = arith.constant 96 : i32
    %dma_wait3A_137 = tpu.memref_slice %arg9[%dma_wait3A_136] : memref<128xi32, #tpu.memory_space<vmem>> -> memref<32xi32, #tpu.memory_space<vmem>>
    %dma_wait3A_138 = arith.constant 0 : i32
    %dma_wait3A_139 = arith.constant 0 : i32
    %dma_wait3A_140 = tpu.memref_slice %arg2[%dma_wait3A_138, %dma_wait3A_139] : memref<4096x1024xf32, #tpu.memory_space<hbm>> -> memref<4096x1024xf32, #tpu.memory_space<hbm>>
    tpu.wait_indirect_dma semaphore(%arg14 : memref<!tpu.dma_semaphore, #tpu.memory_space<semaphore_mem>>) src(%dma_wait3A_140 : memref<4096x1024xf32, #tpu.memory_space<hbm>>) dst(%arg11 : memref<32x1024xf32, #tpu.memory_space<vmem>>)
    %add3A_141 = arith.constant 96 : i32
    %add3A_142 = arith.addi %mul3A_2, %add3A_141 : i32
    %dma_start3A_143 = arith.constant 0 : i32
    %dma_start3A_144 = tpu.memref_slice %arg5[%add3A_142, %dma_start3A_143] : memref<4096x1024xf32, #tpu.memory_space<hbm>> -> memref<32x1024xf32, #tpu.memory_space<hbm>>
    %dma_start3A_145 = arith.constant 0 : i32
    %dma_start3A_146 = tpu.memref_slice %arg5[%add3A_142, %dma_start3A_145] : memref<4096x1024xf32, #tpu.memory_space<hbm>> -> memref<32x1024xf32, #tpu.memory_space<hbm>>
    tpu.enqueue_dma source(%arg11 : memref<32x1024xf32, #tpu.memory_space<vmem>>) target(%dma_start3A_146 : memref<32x1024xf32, #tpu.memory_space<hbm>>) target_semaphore(%arg17 : memref<!tpu.dma_semaphore, #tpu.memory_space<semaphore_mem>>)
    %dma_wait3A_147 = arith.constant 0 : i32
    %dma_wait3A_148 = tpu.memref_slice %arg5[%add3A_131, %dma_wait3A_147] : memref<4096x1024xf32, #tpu.memory_space<hbm>> -> memref<32x1024xf32, #tpu.memory_space<hbm>>
    %dma_wait3A_149 = arith.constant 0 : i32
    %dma_wait3A_150 = tpu.memref_slice %arg5[%add3A_131, %dma_wait3A_149] : memref<4096x1024xf32, #tpu.memory_space<hbm>> -> memref<32x1024xf32, #tpu.memory_space<hbm>>
    tpu.wait_dma2 semaphore(%arg19 : memref<!tpu.dma_semaphore, #tpu.memory_space<semaphore_mem>>) src(%arg13 : memref<32x1024xf32, #tpu.memory_space<vmem>>) dst(%dma_wait3A_150 : memref<32x1024xf32, #tpu.memory_space<hbm>>)
    %dma_wait3A_151 = arith.constant 0 : i32
    %dma_wait3A_152 = tpu.memref_slice %arg5[%add3A_142, %dma_wait3A_151] : memref<4096x1024xf32, #tpu.memory_space<hbm>> -> memref<32x1024xf32, #tpu.memory_space<hbm>>
    %dma_wait3A_153 = arith.constant 0 : i32
    %dma_wait3A_154 = tpu.memref_slice %arg5[%add3A_142, %dma_wait3A_153] : memref<4096x1024xf32, #tpu.memory_space<hbm>> -> memref<32x1024xf32, #tpu.memory_space<hbm>>
    tpu.wait_dma2 semaphore(%arg17 : memref<!tpu.dma_semaphore, #tpu.memory_space<semaphore_mem>>) src(%arg11 : memref<32x1024xf32, #tpu.memory_space<vmem>>) dst(%dma_wait3A_154 : memref<32x1024xf32, #tpu.memory_space<hbm>>)
    return
  }
}

module attributes {stable_mosaic.version = 14 : i64} {
  func.func @_ffn_body(%arg0: i32, %arg1: memref<1x512x1024xf32, #tpu.memory_space<vmem>>, %arg2: memref<1x1024x1024xf32, #tpu.memory_space<vmem>>, %arg3: memref<1x1x1024xf32, #tpu.memory_space<vmem>>, %arg4: memref<1x1024x1024xf32, #tpu.memory_space<vmem>>, %arg5: memref<1x1x1024xf32, #tpu.memory_space<vmem>>, %arg6: memref<1x1x512xf32, #tpu.memory_space<vmem>>, %arg7: memref<1x512x1024xf32, #tpu.memory_space<vmem>>) attributes {dimension_semantics = [#tpu.dimension_semantics<arbitrary>], iteration_bounds = array<i64: 8>, scalar_prefetch = 0 : i64, scratch_operands = 0 : i64, tpu.core_type = #tpu.core_type<tc>, window_params = [{transform_indices = @transform_0, window_bounds = array<i64: 1, 512, 1024>}, {transform_indices = @transform_1, window_bounds = array<i64: 1, 1024, 1024>}, {transform_indices = @transform_2, window_bounds = array<i64: 1, 1, 1024>}, {transform_indices = @transform_3, window_bounds = array<i64: 1, 1024, 1024>}, {transform_indices = @transform_4, window_bounds = array<i64: 1, 1, 1024>}, {transform_indices = @transform_5, window_bounds = array<i64: 1, 1, 512>}, {transform_indices = @transform_6, window_bounds = array<i64: 1, 512, 1024>}]} {
    %get3A = arith.constant 0 : index
    %get3A_0 = arith.constant 0 : index
    %get3A_1 = arith.constant 0 : index
    %get3A_2 = vector.load %arg6[%get3A, %get3A_0, %get3A_1] : memref<1x1x512xf32, #tpu.memory_space<vmem>>, vector<1x1x512xf32>
    %get3A_3 = vector.shape_cast %get3A_2 : vector<1x1x512xf32> to vector<512xf32>
    %broadcast_in_dim3A = vector.shape_cast %get3A_3 : vector<512xf32> to vector<512x1xf32>
    %get3A_4 = arith.constant 0 : index
    %get3A_5 = arith.constant 0 : index
    %get3A_6 = arith.constant 0 : index
    %get3A_7 = vector.load %arg1[%get3A_4, %get3A_5, %get3A_6] : memref<1x512x1024xf32, #tpu.memory_space<vmem>>, vector<1x512x1024xf32>
    %get3A_8 = vector.shape_cast %get3A_7 : vector<1x512x1024xf32> to vector<512x1024xf32>
    %mul3A = vector.broadcast %broadcast_in_dim3A : vector<512x1xf32> to vector<512x1024xf32>
    %mul3A_9 = arith.mulf %get3A_8, %mul3A : vector<512x1024xf32>
    %get3A_10 = arith.constant 0 : index
    %get3A_11 = arith.constant 0 : index
    %get3A_12 = arith.constant 0 : index
    %get3A_13 = vector.load %arg2[%get3A_10, %get3A_11, %get3A_12] : memref<1x1024x1024xf32, #tpu.memory_space<vmem>>, vector<1x1024x1024xf32>
    %get3A_14 = vector.shape_cast %get3A_13 : vector<1x1024x1024xf32> to vector<1024x1024xf32>
    %dot_general3A = arith.constant dense<0.000000e+00> : vector<512x1024xf32>
    %dot_general3A_15 = tpu.matmul %mul3A_9, %get3A_14, %dot_general3A {dimension_numbers = #tpu.dot_dimension_numbers<[1], [0], [0], [1], [0, 0, 1, 1], [], []>, transpose_lhs_hint = false} : vector<512x1024xf32>, vector<1024x1024xf32>, vector<512x1024xf32> -> vector<512x1024xf32>
    %get3A_16 = arith.constant 0 : index
    %get3A_17 = arith.constant 0 : index
    %get3A_18 = arith.constant 0 : index
    %get3A_19 = vector.load %arg3[%get3A_16, %get3A_17, %get3A_18] : memref<1x1x1024xf32, #tpu.memory_space<vmem>>, vector<1x1x1024xf32>
    %get3A_20 = vector.shape_cast %get3A_19 : vector<1x1x1024xf32> to vector<1x1024xf32>
    %add3A = vector.broadcast %get3A_20 : vector<1x1024xf32> to vector<512x1024xf32>
    %add3A_21 = arith.addf %dot_general3A_15, %add3A : vector<512x1024xf32>
    %max3A = arith.constant 0.000000e+00 : f32
    %max3A_22 = vector.broadcast %max3A : f32 to vector<512x1024xf32>
    %max3A_23 = arith.maximumf %add3A_21, %max3A_22 : vector<512x1024xf32>
    %get3A_24 = arith.constant 0 : index
    %get3A_25 = arith.constant 0 : index
    %get3A_26 = arith.constant 0 : index
    %get3A_27 = vector.load %arg4[%get3A_24, %get3A_25, %get3A_26] : memref<1x1024x1024xf32, #tpu.memory_space<vmem>>, vector<1x1024x1024xf32>
    %get3A_28 = vector.shape_cast %get3A_27 : vector<1x1024x1024xf32> to vector<1024x1024xf32>
    %dot_general3A_29 = arith.constant dense<0.000000e+00> : vector<512x1024xf32>
    %dot_general3A_30 = tpu.matmul %max3A_23, %get3A_28, %dot_general3A_29 {dimension_numbers = #tpu.dot_dimension_numbers<[1], [0], [0], [1], [0, 0, 1, 1], [], []>, transpose_lhs_hint = false} : vector<512x1024xf32>, vector<1024x1024xf32>, vector<512x1024xf32> -> vector<512x1024xf32>
    %get3A_31 = arith.constant 0 : index
    %get3A_32 = arith.constant 0 : index
    %get3A_33 = arith.constant 0 : index
    %get3A_34 = vector.load %arg5[%get3A_31, %get3A_32, %get3A_33] : memref<1x1x1024xf32, #tpu.memory_space<vmem>>, vector<1x1x1024xf32>
    %get3A_35 = vector.shape_cast %get3A_34 : vector<1x1x1024xf32> to vector<1x1024xf32>
    %add3A_36 = vector.broadcast %get3A_35 : vector<1x1024xf32> to vector<512x1024xf32>
    %add3A_37 = arith.addf %dot_general3A_30, %add3A_36 : vector<512x1024xf32>
    %mul3A_38 = vector.broadcast %broadcast_in_dim3A : vector<512x1xf32> to vector<512x1024xf32>
    %mul3A_39 = arith.mulf %add3A_37, %mul3A_38 : vector<512x1024xf32>
    %swap3A = arith.constant 0 : index
    %swap3A_40 = arith.constant 0 : index
    %swap3A_41 = arith.constant 0 : index
    %swap3A_42 = vector.load %arg7[%swap3A, %swap3A_40, %swap3A_41] : memref<1x512x1024xf32, #tpu.memory_space<vmem>>, vector<1x512x1024xf32>
    %swap3A_43 = vector.shape_cast %swap3A_42 : vector<1x512x1024xf32> to vector<512x1024xf32>
    %swap3A_44 = vector.shape_cast %mul3A_39 : vector<512x1024xf32> to vector<1x512x1024xf32>
    tpu.vector_store %arg7[%swap3A, %swap3A_40, %swap3A_41], %swap3A_44 {strides = array<i32>} : memref<1x512x1024xf32, #tpu.memory_space<vmem>>, vector<1x512x1024xf32>,
    return
  }
  func.func @transform_0(%arg0: i32) -> (i32, i32, i32) {
    %c0_i32 = arith.constant 0 : i32
    %c0_i32_0 = arith.constant 0 : i32
    %c0_i32_1 = arith.constant 0 : i32
    return %arg0, %c0_i32, %c0_i32_0 : i32, i32, i32
  }
  func.func @transform_1(%arg0: i32) -> (i32, i32, i32) {
    %c0_i32 = arith.constant 0 : i32
    %c0_i32_0 = arith.constant 0 : i32
    %c0_i32_1 = arith.constant 0 : i32
    return %arg0, %c0_i32, %c0_i32_0 : i32, i32, i32
  }
  func.func @transform_2(%arg0: i32) -> (i32, i32, i32) {
    %c0_i32 = arith.constant 0 : i32
    %c0_i32_0 = arith.constant 0 : i32
    %c0_i32_1 = arith.constant 0 : i32
    return %arg0, %c0_i32, %c0_i32_0 : i32, i32, i32
  }
  func.func @transform_3(%arg0: i32) -> (i32, i32, i32) {
    %c0_i32 = arith.constant 0 : i32
    %c0_i32_0 = arith.constant 0 : i32
    %c0_i32_1 = arith.constant 0 : i32
    return %arg0, %c0_i32, %c0_i32_0 : i32, i32, i32
  }
  func.func @transform_4(%arg0: i32) -> (i32, i32, i32) {
    %c0_i32 = arith.constant 0 : i32
    %c0_i32_0 = arith.constant 0 : i32
    %c0_i32_1 = arith.constant 0 : i32
    return %arg0, %c0_i32, %c0_i32_0 : i32, i32, i32
  }
  func.func @transform_5(%arg0: i32) -> (i32, i32, i32) {
    %c0_i32 = arith.constant 0 : i32
    %c0_i32_0 = arith.constant 0 : i32
    %c0_i32_1 = arith.constant 0 : i32
    return %arg0, %c0_i32, %c0_i32_0 : i32, i32, i32
  }
  func.func @transform_6(%arg0: i32) -> (i32, i32, i32) {
    %c0_i32 = arith.constant 0 : i32
    %c0_i32_0 = arith.constant 0 : i32
    %c0_i32_1 = arith.constant 0 : i32
    return %arg0, %c0_i32, %c0_i32_0 : i32, i32, i32
  }
}

module attributes {stable_mosaic.version = 14 : i64} {
  func.func @_router_body(%arg0: i32, %arg1: memref<512x1024xf32, #tpu.memory_space<vmem>>, %arg2: memref<1024x8xf32, #tpu.memory_space<vmem>>, %arg3: memref<1x8xf32, #tpu.memory_space<vmem>>, %arg4: memref<1x1x512xi32, #tpu.memory_space<vmem>>, %arg5: memref<1x1x512xf32, #tpu.memory_space<vmem>>, %arg6: memref<1x8xf32, #tpu.memory_space<vmem>>, %arg7: memref<512x512xf32, #tpu.memory_space<vmem>>) attributes {dimension_semantics = [#tpu.dimension_semantics<arbitrary>], iteration_bounds = array<i64: 8>, scalar_prefetch = 0 : i64, scratch_operands = 2 : i64, tpu.core_type = #tpu.core_type<tc>, window_params = [{transform_indices = @transform_0, window_bounds = array<i64: 512, 1024>}, {pipeline_mode = #tpu.pipeline_mode<synchronous>, transform_indices = @transform_1, window_bounds = array<i64: 1024, 8>}, {pipeline_mode = #tpu.pipeline_mode<synchronous>, transform_indices = @transform_2, window_bounds = array<i64: 1, 8>}, {transform_indices = @transform_3, window_bounds = array<i64: 1, 1, 512>}, {transform_indices = @transform_4, window_bounds = array<i64: 1, 1, 512>}]} {
    %eq3A = arith.constant 0 : i32
    %eq3A_0 = arith.cmpi eq, %arg0, %eq3A : i32
    %convert_element_type3A = arith.extui %eq3A_0 : i1 to i32
    %cond3A = arith.constant 0 : i32
    %cond3A_1 = arith.cmpi ne, %convert_element_type3A, %cond3A : i32
    scf.if %cond3A_1 {
      %broadcast_in_dim3A_74 = arith.constant 0.000000e+00 : f32
      %broadcast_in_dim3A_75 = vector.broadcast %broadcast_in_dim3A_74 : f32 to vector<1x8xf32>
      %swap3A_76 = arith.constant 0 : index
      %swap3A_77 = arith.constant 0 : index
      %swap3A_78 = vector.load %arg6[%swap3A_76, %swap3A_77] : memref<1x8xf32, #tpu.memory_space<vmem>>, vector<1x8xf32>
      tpu.vector_store %arg6[%swap3A_76, %swap3A_77], %broadcast_in_dim3A_75 {strides = array<i32>} : memref<1x8xf32, #tpu.memory_space<vmem>>, vector<1x8xf32>,
      %iota3A_79 = tpu.iota {dimensions = array<i32: 0>} : vector<512x512xi32>
      %iota3A_80 = tpu.iota {dimensions = array<i32: 1>} : vector<512x512xi32>
      %le3A = arith.cmpi sle, %iota3A_80, %iota3A_79 : vector<512x512xi32>
      %convert_element_type3A_81 = arith.extui %le3A : vector<512x512xi1> to vector<512x512xi32>
      %convert_element_type3A_82 = arith.sitofp %convert_element_type3A_81 : vector<512x512xi32> to vector<512x512xf32>
      %swap3A_83 = arith.constant 0 : index
      %swap3A_84 = arith.constant 0 : index
      %swap3A_85 = vector.load %arg7[%swap3A_83, %swap3A_84] : memref<512x512xf32, #tpu.memory_space<vmem>>, vector<512x512xf32>
      tpu.vector_store %arg7[%swap3A_83, %swap3A_84], %convert_element_type3A_82 {strides = array<i32>} : memref<512x512xf32, #tpu.memory_space<vmem>>, vector<512x512xf32>,
    } else {
    }
    %get3A = arith.constant 0 : index
    %get3A_2 = arith.constant 0 : index
    %get3A_3 = vector.load %arg1[%get3A, %get3A_2] : memref<512x1024xf32, #tpu.memory_space<vmem>>, vector<512x1024xf32>
    %get3A_4 = arith.constant 0 : index
    %get3A_5 = arith.constant 0 : index
    %get3A_6 = vector.load %arg2[%get3A_4, %get3A_5] : memref<1024x8xf32, #tpu.memory_space<vmem>>, vector<1024x8xf32>
    %dot_general3A = arith.constant dense<0.000000e+00> : vector<512x8xf32>
    %dot_general3A_7 = tpu.matmul %get3A_3, %get3A_6, %dot_general3A {dimension_numbers = #tpu.dot_dimension_numbers<[1], [0], [0], [1], [0, 0, 1, 1], [], []>, transpose_lhs_hint = false} : vector<512x1024xf32>, vector<1024x8xf32>, vector<512x8xf32> -> vector<512x8xf32>
    %get3A_8 = arith.constant 0 : index
    %get3A_9 = arith.constant 0 : index
    %get3A_10 = vector.load %arg3[%get3A_8, %get3A_9] : memref<1x8xf32, #tpu.memory_space<vmem>>, vector<1x8xf32>
    %add3A = vector.broadcast %get3A_10 : vector<1x8xf32> to vector<512x8xf32>
    %add3A_11 = arith.addf %dot_general3A_7, %add3A : vector<512x8xf32>
    %reduce_max3A = arith.constant dense<0xFF800000> : vector<512xf32>
    %reduce_max3A_12 = vector.multi_reduction <maximumf>, %add3A_11, %reduce_max3A [1] : vector<512x8xf32> to vector<512xf32>
    %broadcast_in_dim3A = vector.shape_cast %reduce_max3A_12 : vector<512xf32> to vector<512x1xf32>
    %sub3A = vector.broadcast %broadcast_in_dim3A : vector<512x1xf32> to vector<512x8xf32>
    %sub3A_13 = arith.subf %add3A_11, %sub3A : vector<512x8xf32>
    %exp3A = math.exp %sub3A_13 : vector<512x8xf32>
    %reduce_sum3A = arith.constant dense<0.000000e+00> : vector<512xf32>
    %reduce_sum3A_14 = vector.multi_reduction <add>, %exp3A, %reduce_sum3A [1] : vector<512x8xf32> to vector<512xf32>
    %broadcast_in_dim3A_15 = vector.shape_cast %reduce_sum3A_14 : vector<512xf32> to vector<512x1xf32>
    %div3A = vector.broadcast %broadcast_in_dim3A_15 : vector<512x1xf32> to vector<512x8xf32>
    %div3A_16 = arith.divf %exp3A, %div3A : vector<512x8xf32>
    %reduce_max3A_17 = arith.constant dense<0xFF800000> : vector<512xf32>
    %reduce_max3A_18 = vector.multi_reduction <maximumf>, %div3A_16, %reduce_max3A_17 [1] : vector<512x8xf32> to vector<512xf32>
    %reduce_max3A_19 = arith.constant dense<0xFF800000> : vector<512xf32>
    %reduce_max3A_20 = vector.multi_reduction <maximumf>, %div3A_16, %reduce_max3A_19 [1] : vector<512x8xf32> to vector<512xf32>
    %broadcast_in_dim3A_21 = vector.shape_cast %reduce_max3A_20 : vector<512xf32> to vector<512x1xf32>
    %iota3A = tpu.iota {dimensions = array<i32: 1>} : vector<512x8xi32>
    %eq3A_22 = vector.broadcast %broadcast_in_dim3A_21 : vector<512x1xf32> to vector<512x8xf32>
    %eq3A_23 = arith.cmpf oeq, %div3A_16, %eq3A_22 : vector<512x8xf32>
    %jit3A = arith.constant 8 : i32
    %broadcast_in_dim3A_24 = vector.broadcast %jit3A : i32 to vector<512x8xi32>
    %select_n3A = arith.select %eq3A_23, %iota3A, %broadcast_in_dim3A_24 : vector<512x8xi1>, vector<512x8xi32>
    %reduce_min3A = arith.constant dense<2147483647> : vector<512xi32>
    %reduce_min3A_25 = vector.multi_reduction <minsi>, %select_n3A, %reduce_min3A [1] : vector<512x8xi32> to vector<512xi32>
    %broadcast_in_dim3A_26 = vector.shape_cast %reduce_min3A_25 : vector<512xi32> to vector<512x1xi32>
    %eq3A_27 = vector.broadcast %broadcast_in_dim3A_26 : vector<512x1xi32> to vector<512x8xi32>
    %eq3A_28 = arith.cmpi eq, %iota3A, %eq3A_27 : vector<512x8xi32>
    %convert_element_type3A_29 = arith.extui %eq3A_28 : vector<512x8xi1> to vector<512x8xi32>
    %convert_element_type3A_30 = arith.sitofp %convert_element_type3A_29 : vector<512x8xi32> to vector<512x8xf32>
    %get3A_31 = arith.constant 0 : index
    %get3A_32 = arith.constant 0 : index
    %get3A_33 = vector.load %arg7[%get3A_31, %get3A_32] : memref<512x512xf32, #tpu.memory_space<vmem>>, vector<512x512xf32>
    %dot_general3A_34 = arith.constant dense<0.000000e+00> : vector<512x8xf32>
    %dot_general3A_35 = tpu.matmul %get3A_33, %convert_element_type3A_30, %dot_general3A_34 {dimension_numbers = #tpu.dot_dimension_numbers<[1], [0], [0], [1], [0, 0, 1, 1], [], []>, transpose_lhs_hint = false} : vector<512x512xf32>, vector<512x8xf32>, vector<512x8xf32> -> vector<512x8xf32>
    %get3A_36 = arith.constant 0 : index
    %get3A_37 = arith.constant 0 : index
    %get3A_38 = vector.load %arg6[%get3A_36, %get3A_37] : memref<1x8xf32, #tpu.memory_space<vmem>>, vector<1x8xf32>
    %add3A_39 = vector.broadcast %get3A_38 : vector<1x8xf32> to vector<512x8xf32>
    %add3A_40 = arith.addf %dot_general3A_35, %add3A_39 : vector<512x8xf32>
    %get3A_41 = arith.constant 0 : index
    %get3A_42 = arith.constant 0 : index
    %get3A_43 = vector.load %arg6[%get3A_41, %get3A_42] : memref<1x8xf32, #tpu.memory_space<vmem>>, vector<1x8xf32>
    %slice3A = vector.extract_strided_slice %dot_general3A_35 {offsets = [511, 0], sizes = [1, 8], strides = [1, 1]} : vector<512x8xf32> to vector<1x8xf32>
    %add3A_44 = arith.addf %get3A_43, %slice3A : vector<1x8xf32>
    %swap3A = arith.constant 0 : index
    %swap3A_45 = arith.constant 0 : index
    %swap3A_46 = vector.load %arg6[%swap3A, %swap3A_45] : memref<1x8xf32, #tpu.memory_space<vmem>>, vector<1x8xf32>
    tpu.vector_store %arg6[%swap3A, %swap3A_45], %add3A_44 {strides = array<i32>} : memref<1x8xf32, #tpu.memory_space<vmem>>, vector<1x8xf32>,
    %mul3A = arith.mulf %add3A_40, %convert_element_type3A_30 : vector<512x8xf32>
    %reduce_sum3A_47 = arith.constant dense<0.000000e+00> : vector<512xf32>
    %reduce_sum3A_48 = vector.multi_reduction <add>, %mul3A, %reduce_sum3A_47 [1] : vector<512x8xf32> to vector<512xf32>
    %lt3A = arith.constant 5.120000e+02 : f32
    %lt3A_49 = vector.broadcast %lt3A : f32 to vector<512xf32>
    %lt3A_50 = arith.cmpf olt, %reduce_sum3A_48, %lt3A_49 : vector<512xf32>
    %convert_element_type3A_51 = arith.extui %lt3A_50 : vector<512xi1> to vector<512xi32>
    %convert_element_type3A_52 = arith.sitofp %convert_element_type3A_51 : vector<512xi32> to vector<512xf32>
    %mul3A_53 = arith.mulf %reduce_max3A_18, %convert_element_type3A_52 : vector<512xf32>
    %mul3A_54 = arith.constant 512 : i32
    %mul3A_55 = vector.broadcast %mul3A_54 : i32 to vector<512xi32>
    %mul3A_56 = arith.muli %reduce_min3A_25, %mul3A_55 : vector<512xi32>
    %convert_element_type3A_57 = arith.fptosi %reduce_sum3A_48 : vector<512xf32> to vector<512xi32>
    %jit3A_58 = arith.constant 0 : i32
    %broadcast_in_dim3A_59 = vector.broadcast %jit3A_58 : i32 to vector<512xi32>
    %select_n3A_60 = arith.select %lt3A_50, %convert_element_type3A_57, %broadcast_in_dim3A_59 : vector<512xi1>, vector<512xi32>
    %add3A_61 = arith.addi %mul3A_56, %select_n3A_60 : vector<512xi32>
    %swap3A_62 = arith.constant 0 : index
    %swap3A_63 = arith.constant 0 : index
    %swap3A_64 = arith.constant 0 : index
    %swap3A_65 = vector.load %arg4[%swap3A_62, %swap3A_63, %swap3A_64] : memref<1x1x512xi32, #tpu.memory_space<vmem>>, vector<1x1x512xi32>
    %swap3A_66 = vector.shape_cast %swap3A_65 : vector<1x1x512xi32> to vector<512xi32>
    %swap3A_67 = vector.shape_cast %add3A_61 : vector<512xi32> to vector<1x1x512xi32>
    tpu.vector_store %arg4[%swap3A_62, %swap3A_63, %swap3A_64], %swap3A_67 {strides = array<i32>} : memref<1x1x512xi32, #tpu.memory_space<vmem>>, vector<1x1x512xi32>,
    %swap3A_68 = arith.constant 0 : index
    %swap3A_69 = arith.constant 0 : index
    %swap3A_70 = arith.constant 0 : index
    %swap3A_71 = vector.load %arg5[%swap3A_68, %swap3A_69, %swap3A_70] : memref<1x1x512xf32, #tpu.memory_space<vmem>>, vector<1x1x512xf32>
    %swap3A_72 = vector.shape_cast %swap3A_71 : vector<1x1x512xf32> to vector<512xf32>
    %swap3A_73 = vector.shape_cast %mul3A_53 : vector<512xf32> to vector<1x1x512xf32>
    tpu.vector_store %arg5[%swap3A_68, %swap3A_69, %swap3A_70], %swap3A_73 {strides = array<i32>} : memref<1x1x512xf32, #tpu.memory_space<vmem>>, vector<1x1x512xf32>,
    return
  }
  func.func @transform_0(%arg0: i32) -> (i32, i32) {
    %c0_i32 = arith.constant 0 : i32
    %c0_i32_0 = arith.constant 0 : i32
    return %arg0, %c0_i32 : i32, i32
  }
  func.func @transform_1(%arg0: i32) -> (i32, i32) {
    %c0_i32 = arith.constant 0 : i32
    %c0_i32_0 = arith.constant 0 : i32
    %c0_i32_1 = arith.constant 0 : i32
    return %c0_i32, %c0_i32_0 : i32, i32
  }
  func.func @transform_2(%arg0: i32) -> (i32, i32) {
    %c0_i32 = arith.constant 0 : i32
    %c0_i32_0 = arith.constant 0 : i32
    %c0_i32_1 = arith.constant 0 : i32
    return %c0_i32, %c0_i32_0 : i32, i32
  }
  func.func @transform_3(%arg0: i32) -> (i32, i32, i32) {
    %c0_i32 = arith.constant 0 : i32
    %c0_i32_0 = arith.constant 0 : i32
    %c0_i32_1 = arith.constant 0 : i32
    return %arg0, %c0_i32, %c0_i32_0 : i32, i32, i32
  }
  func.func @transform_4(%arg0: i32) -> (i32, i32, i32) {
    %c0_i32 = arith.constant 0 : i32
    %c0_i32_0 = arith.constant 0 : i32
    %c0_i32_1 = arith.constant 0 : i32
    return %arg0, %c0_i32, %c0_i32_0 : i32, i32, i32
  }
}

</mosaic_0001>

<sc_bundles>
// kernel: kernel.6.cloned.1.call-start
scs
__scs_entry_jumppad:
0x0: {  	(pc) =	sbr.rel $0x88, $3  }
0x1: {  	(tag) =	ssettag $0x0;
	lr =	simm.s32 $0x1  }
0x2: {  	[smem:$0x3F9A] =	sst lr;
	_ =	strace $0xD0000000  }
0x3: {  	_ = 	snop  }
0x4: {  	_ = 	snop  }
0x5: {  	_ = 	snop  }
0x6: {  	_ = 	snop  }
0x7: {  	_ = 	snop  }
__scs_overlays_trampoline_lowered:
0x8: {  	[smem:$0x3FA9] =	sst s0  }
0x9: {  	[smem:$0x3FAA] =	sst s1  }
0xa: {  	[smem:$0x3FAB] =	sst s2  }
0xb: {  	[smem:$0x3FAC] =	sst s3  }
0xc: {  	[smem:$0x3FAD] =	sst s4  }
0xd: {  	[smem:$0x3FAE] =	sst s5  }
0xe: {  	[smem:$0x3FAF] =	sst s6  }
0xf: {  	[smem:$0x3FB0] =	sst s7  }
0x10: {  	[smem:$0x3FB1] =	sst s8  }
0x11: {  	[smem:$0x3FB2] =	sst s9;
	s0 =	simm.s32 @!p0 $0x0  }
0x12: {  	s1 =	sld [smem:$0x3F98];
	s0 =	simm.s32 @p0 $0x1  }
0x13: {  	[smem:$0x3FB3] =	sst s0;
	s0 =	simm.s32 @!p1 $0x0  }
0x14: {  	s2 =	sld [smem:$0x3F97];
	s0 =	simm.s32 @p1 $0x1  }
0x15: {  	[smem:$0x3FB4] =	sst s0;
	s0 =	simm.s32 @!p2 $0x0  }
0x16: {  	s3 =	sld [smem:$0x3FDB];
	s0 =	simm.s32 @p2 $0x1  }
0x17: {  	s4 =	simm.s32 $0x1BF5;
	[smem:$0x3FB6] =	sst s0  }
0x18: {  	s0 =	sld [smem:$0x3F99];
	_ =	swait.ge [sflag:s4], $0x0  }
0x19: {  	s7 =	sld [smem:$0x3F9A]  }
0x1a: {  	s8 =	sadd.s32 $0xFFFFE003, lr  }
0x1b: {  	s9 =	sadd.s32 $0xFFFFFEF7, lr;
	s5 =	simm.s32 $0xFFFFFFFF;
	p2 =	slt.u32 s8, $0xFFFFF086  }
0x1c: {  	p1 =	slt.u32 s9, $0xF7A;
	s5 =	simm.s32 @!p2 $0x0  }
0x1d: {  	s5 =	simm.s32 @p1 $0x1;
	p0 =	seq.s32 s7, s2  }
0x1e: {  	s7 =	smul.u32 @!p0 $0xF7A, s2;
	p2 =	seq.s32 @!p0 s5, $0x0  }
0x1f: {  	s9 =	smul.u32 $0xF7A, s1;
	s8 =	simm.s32 @!p0 $0x1BF5;
	p2 =	por !p2, p0  }
0x20: {  	[sflag:s8] =	ssyncset.s32 @!p0 $0xFFFFF086;
	s6 =	sadd.s32 @!p0 s3, s7;
	s7 =	simm.s32 @!p0 $0x108  }
0x21: {  	s3 =	sadd.s32 s3, s9;
	s6 =	sadd.s32 @!p0 $0x88, s6;
	s7 =	simm.s32 @p2 $0x1082  }
0x22: {  	[simem:s7], [sflag:s8] =	dma.local @!p0 [hbm:s6], $0xF7A  }
0x23: {  	s9 =	sor.u32 $0xD0000000, s2;
	s6 =	simm.s32 $0x108;
	_ =	swait.ge @!p0 [sflag:s8], $0x0  }
0x24: {  	s3 =	sadd.s32 $0x88, s3;
	s6 =	simm.s32 @!p1 $0x1082;
	[sflag:s4] =	ssyncset.s32 $0xFFFFF086  }
0x25: {  	[simem:s6], [sflag:s4] =	dma.local [hbm:s3], $0xF7A  }
0x26: {  	[smem:$0x3F9A] =	sst s1;
	(tag) =	ssettag s2;
	_ =	strace s9  }
0x27: {  	s1 =	sld [smem:$0x3FAA]  }
0x28: {  	s2 =	sld [smem:$0x3FAB]  }
0x29: {  	s4 =	sld [smem:$0x3FAD]  }
0x2a: {  	p0 =	seq.s32 s5, $0x0;
	s5 =	sld [smem:$0x3FAE]  }
0x2b: {  	s6 =	sld [smem:$0x3FAF]  }
0x2c: {  	s7 =	sld [smem:$0x3FB0]  }
0x2d: {  	s3 =	simm.s32 $0x108;
	s8 =	sld [smem:$0x3FB1]  }
0x2e: {  	s3 =	simm.s32 @!p0 $0x1082;
	s9 =	sld [smem:$0x3FB2]  }
0x2f: {  	lr =	sadd.s32 s0, s3;
	s0 =	sld [smem:$0x3FA9]  }
0x30: {  	s3 =	sld [smem:$0x3FAC]  }
0x31: {  	[smem:$0x3FB5] =	sst s10  }
0x32: {  	s10 =	sld [smem:$0x3FB3];
	_ =	sdelay $0x3  }
0x33: {  	p0 =	seq.s32 s10, $0x1;
	s10 =	sld [smem:$0x3FB5];
	_ =	sdelay $0x3  }
0x34: {  	[smem:$0x3FB5] =	sst s10  }
0x35: {  	s10 =	sld [smem:$0x3FB4];
	_ =	sdelay $0x3  }
0x36: {  	p1 =	seq.s32 s10, $0x1;
	s10 =	sld [smem:$0x3FB5];
	_ =	sdelay $0x3  }
0x37: {  	[smem:$0x3FB5] =	sst s10  }
0x38: {  	s10 =	sld [smem:$0x3FB6]  }
0x39: {  	_ = 	snop;
	(pc) =	sbr.ind lr, $3  }
0x3a: {  	_ = 	snop  }
0x3b: {  	_ = 	snop  }
0x3c: {  	p2 =	seq.s32 s10, $0x1;
	s10 =	sld [smem:$0x3FB5]  }
0x3d: {  	_ =	shalt  }
0x3e: {  	_ =	shalt  }
0x3f: {  	_ =	shalt  }
0x40: {  	_ =	shalt  }
0x41: {  	_ =	shalt  }
0x42: {  	_ =	shalt  }
0x43: {  	_ =	shalt  }
0x44: {  	_ =	shalt  }
0x45: {  	_ =	shalt  }
0x46: {  	_ =	shalt  }
0x47: {  	_ =	shalt  }
0x48: {  	_ =	shalt  }
0x49: {  	_ =	shalt  }
0x4a: {  	_ =	shalt  }
0x4b: {  	_ =	shalt  }
0x4c: {  	_ =	shalt  }
0x4d: {  	_ =	shalt  }
0x4e: {  	_ =	shalt  }
0x4f: {  	_ =	shalt  }
0x50: {  	_ =	shalt  }
0x51: {  	_ =	shalt  }
0x52: {  	_ =	shalt  }
0x53: {  	_ =	shalt  }
0x54: {  	_ =	shalt  }
0x55: {  	_ =	shalt  }
0x56: {  	_ =	shalt  }
0x57: {  	_ =	shalt  }
0x58: {  	_ =	shalt  }
0x59: {  	_ =	shalt  }
0x5a: {  	_ =	shalt  }
0x5b: {  	_ =	shalt  }
0x5c: {  	_ =	shalt  }
0x5d: {  	_ =	shalt  }
0x5e: {  	_ =	shalt  }
0x5f: {  	_ =	shalt  }
0x60: {  	_ =	shalt  }
0x61: {  	_ =	shalt  }
0x62: {  	_ =	shalt  }
0x63: {  	_ =	shalt  }
0x64: {  	_ =	shalt  }
0x65: {  	_ =	shalt  }
0x66: {  	_ =	shalt  }
0x67: {  	_ =	shalt  }
0x68: {  	_ =	shalt  }
0x69: {  	_ =	shalt  }
0x6a: {  	_ =	shalt  }
0x6b: {  	_ =	shalt  }
0x6c: {  	_ =	shalt  }
0x6d: {  	_ =	shalt  }
0x6e: {  	_ =	shalt  }
0x6f: {  	_ =	shalt  }
0x70: {  	_ =	shalt  }
0x71: {  	_ =	shalt  }
0x72: {  	_ =	shalt  }
0x73: {  	_ =	shalt  }
0x74: {  	_ =	shalt  }
0x75: {  	_ =	shalt  }
0x76: {  	_ =	shalt  }
0x77: {  	_ =	shalt  }
0x78: {  	_ =	shalt  }
0x79: {  	_ =	shalt  }
0x7a: {  	_ =	shalt  }
0x7b: {  	_ =	shalt  }
0x7c: {  	_ =	shalt  }
0x7d: {  	_ =	shalt  }
0x7e: {  	_ =	shalt  }
0x7f: {  	_ =	shalt  }
0x80: {  	_ =	shalt  }
0x81: {  	_ =	shalt  }
0x82: {  	_ =	shalt  }
0x83: {  	_ =	shalt  }
0x84: {  	_ =	shalt  }
0x85: {  	_ =	shalt  }
0x86: {  	_ =	shalt  }
0x87: {  	_ =	shalt  }
.Lfunc_end0:
.L_simem_size_0:
called_computation_lowered:
.L_overlay_start_0:
0x88: {  	s2 =	sld [smem:$0x3FD9]  }
0x89: {  	s3 =	sld [smem:$0x3FFE];
	_ =	sdelay $0x1  }
0x8a: {  	s1 =	srdreg.scid  }
0x8b: {  	s0 =	sand.u32 $0x1, s1  }
0x8c: {  	s17 =	sshll.u32 s0, $0xA;
	s2 =	sadd.s32 s3, s2  }
0x8d: {  	s2 =	sadd.s32 s2, s17  }
0x8e: {  	[smem:$0x3FC1] =	sst s2  }
0x8f: {  	_ = 	snop  }
0x90: {  	s2 =	sld [smem:$0x3FC9]  }
0x91: {  	s18 =	sld [smem:$0x3FD0];
	(tm) =	ssettm $0x1  }
0x92: {  	s4 =	sld [smem:$0x3FFB];
	_ =	sdelay $0x3  }
0x93: {  	_ =	strace s4  }
0x94: {  	s4 =	sld [smem:$0x3FFC];
	_ =	sdelay $0x3  }
0x95: {  	_ =	strace s4  }
0x96: {  	s4 =	sld [smem:$0x3FFD];
	_ =	sdelay $0x3  }
0x97: {  	_ =	strace s4  }
0x98: {  	_ =	strace $0x8FFFFFFF  }
0x99: {  	s19 =	sld [smem:$0x3FDB];
	_ =	sdelay $0x1  }
0x9a: {  	s5 =	simm.s32 $_scs_section_size  }
0x9b: {  	s6 =	simm.s32 $_size__tile_overlayer_lowered;
	s7 =	simm.s32 $_tile_overlayer_lowered  }
0x9c: {  	s22 =	simm.s32 $0x1BFF;
	s21 =	sshll.u32 s7, $0x1;
	s4 =	sadd.s32 s5, s19  }
0x9d: {  	s8 =	simm.s32 $0x0;
	s20 =	sshll.u32 s6, $0x1;
	s6 =	sadd.s32 s21, s4  }
0x9e: {  	[timem:s8], [sflag:s22] =	dma.local [hbm:s6], s20  }
0x9f: {  	_ =	swait.ge [sflag:s22], s20  }
0xa0: {  	s5 =	ssub.s32 $0x0, s20;
	[sflag:s22] =	ssyncset.done $0x0  }
0xa1: {  	[sflag:s22] =	ssyncadd.s32 s5;
	_ =	sdelay $0x1  }
0xa2: {  	s23 =	simm.s32 $0x1B8B  }
0xa3: {  	_ =	swait.ge [sflag:s23], $0x1  }
0xa4: {  	[sflag:s23] =	ssyncset.done $0x0  }
0xa5: {  	s25 =	simm.s32 $0x1B8E;
	s24 =	sld [smem:$0x3FFE];
	[sflag:s23] =	ssyncadd.s32 $0xFFFFFFFF  }
0xa6: {  	s26 =	simm.s32 $execute0_lowered;
	[smem:$0x3FD2] =	sst s25  }
0xa7: {  	s6 =	sshll.u32 s26, $0x1;
	_ =	strace $0x80000046;
	[dreg:$0x1] =	wrdreg $0xFFFFFFFF  }
0xa8: {  	s28 =	simm.s32 $_size_execute0_lowered;
	s4 =	sadd.s32 s4, s6;
	[dreg:$0x0] =	wrdreg $0x0  }
0xa9: {  	s6 =	sshll.u32 s28, $0x1;
	[dreg:$0x2] =	wrdreg s4  }
0xaa: {  	[dreg:$0x3] =	wrdreg s6  }
0xab: {  	[dreg:$0x4] =	wrdreg $0xC0  }
0xac: {  	_ =	task [dreg:s8], $0x5FFFF  }
0xad: {  	[dreg:$0x1] =	wrdreg $0xFFFFFFFF  }
0xae: {  	[dreg:$0x0] =	wrdreg $0x60  }
0xaf: {  	[dreg:$0x2] =	wrdreg s2  }
0xb0: {  	[dreg:$0x3] =	wrdreg s24  }
0xb1: {  	[dreg:$0x4] =	wrdreg s18  }
0xb2: {  	[dreg:$0x5] =	wrdreg $0x9  }
0xb3: {  	_ =	task.clear_ibuf [dreg:s8], $0x6FFFF;
	_ =	strace $0x90000046  }
0xb4: {  	s29 =	simm.s32 $0x9;
	_ =	strace $0x80000048  }
0xb5: {  	_ =	swait.ge [sflag:s29], $0x1  }
0xb6: {  	[sflag:s29] =	ssyncadd.s32 $0xFFFFFFFF  }
0xb7: {  	_ =	strace $0x90000048  }
0xb8: {  	_ =	sfence  }
0xb9: {  	s30 =	sld [smem:$0x0];
	_ =	sdelay $0x2  }
0xba: {  	s31 =	sshll.u32 s1, $0xD;
	s1 =	sshrl.u32 s1, $0x2  }
0xbb: {  	s3 =	sand.u32 $0x4000, s31;
	s1 =	sadd.s32 s1, s30  }
0xbc: {  	s0 =	sor.u32 s3, s0;
	s1 =	sshll.u32 s1, $0x11  }
0xbd: {  	s0 =	sor.u32 s1, s0  }
0xbe: {  	s0 =	sadd.s32 $0x8F2B, s0  }
0xbf: {  	[sflag:s0] =	ssyncadd.remote.s32 $0x1  }
0xc0: {  	_ =	sfence.sel $0xFFFF  }
0xc1: {  	[dreg:$0x0] =	wrdreg $0xFFFFFFFF;
	(pc) =	sbr.abs _section_cstart, $3  }
0xc2: {  	[dreg:$0x1] =	wrdreg $0xFFFFFFFF  }
0xc3: {  	_ =	task.clear_ibuf [dreg:s8], $0x2FFFF;
	_ =	strace $0x9FFFFFFF  }
0xc4: {  	(tm) =	ssettm $0x7FFFFFFF  }
0xc5: {  	_ =	shalt  }
tec
execute0_lowered:
.L_overlay_start_1:
0x0: {  	(tag) =	ssettag $0x1  }
0x1: {  	s1 =	rddreg [dreg:$0x0]  }
0x2: {  	s0 =	rddreg [dreg:$0x1]  }
0x3: {  	s2 =	rddreg [dreg:$0x2];
	s4 =	srdreg.scid;
	s3 =	simm.s32 $0x0  }
0x4: {  	s5 =	stileid.u32;
	s15 =	simm.s32 $0x7;
	s16 =	simm.s32 $0x1000  }
0x5: {  	s17 =	simm.s32 $0x2080;
	s13 =	simm.s32 $0x4;
	s28 =	simm.s32 $0x4980  }
0x6: {  	s29 =	simm.s32 $0x5180;
	s30 =	simm.s32 $0x5980;
	s31 =	simm.s32 $0x6180  }
0x7: {  	s18 =	simm.s32 $0x7980;
	s9 =	simm.s32 $0x9180;
	s11 =	simm.s32 $0x9980  }
0x8: {  	s14 =	simm.s32 $0x12180;
	s4 =	sand.u32 $0x1, s4;
	[smem:$0x7FF] =	sst s3  }
0x9: {  	s5 =	sshll.u32 s5, $0x8;
	s19 =	sadd.s32 $0x1A00, s0;
	s21 =	sadd.s32 $0x1C00, s0  }
0xa: {  	s7 =	sadd.s32 $0x100, s1;
	s8 =	sadd.s32 $0x200, s1;
	s10 =	sadd.s32 $0x300, s1  }
0xb: {  	s6 =	sshll.u32 s4, $0x7;
	_ =	strace $0x80000047;
	[dreg:$0x4] =	wrdreg s19  }
0xc: {  	s4 =	ssub.s32 $0x2, s4;
	[dreg:$0x5] =	wrdreg s21;
	s19 =	simm.s32 $0x2180  }
0xd: {  	s21 =	simm.s32 $0x0;
	s12 =	sor.u32 s6, s5;
	s22 =	sshrl.u32 s4, $0x1  }
0xe: {  	s6 =	simm.s32 $0x1;
	s5 =	simm.s32 $0x8980;
	s23 =	sshll.u32 s12, $0x7  }
0xf: {  	s20 =	sshrl.u32 s12, $0x3;
	s4 =	ssub.s32 s4, s22;
	s2 =	sadd.s32 s2, s23  }
0x10: {  	s0 =	sadd.s32 s20, s0;
	s26 =	smax.u32 s4, $0x1;
	[dreg:$0xb] =	wrdreg s2  }
0x11: {  	v0 =	vmov s12;
	s12 =	simm.s32 $0xA180;
	s0 =	sadd.s32 $0x1E00, s0;
	[dreg:$0xa] =	wrdreg s26  }
0x12: {  	s20 =	simm.s32 $0x6;
	s24 =	sadd.s32 $0x2000, s2;
	[dreg:$0x6] =	wrdreg s0  }
0x13: {  	v1 =	vimm.f32 $0.0e+00;
	v2 =	vlaneseq.u32;
	s4 =	simm.s32 $0x8180;
	s25 =	sadd.s32 $0x3000, s2;
	[dreg:$0x8] =	wrdreg s24  }
0x14: {  	v3 =	vimm.s32 $0x1000;
	vm0 =	vmmov $0xffff;
	v5 =	vshrl.u32 v2, $0x3;
	s26 =	simm.s32 $0x4180;
	s0 =	sadd.s32 $0x1000, s2;
	[dreg:$0x9] =	wrdreg s25  }
0x15: {  	v4 =	vand.u32 $0x7, v2;
	v6 =	vor.u32 $0x8, v2;
	v5 =	vmul.u32 $0x8, v5;
	s25 =	simm.s32 $0x3980;
	s2 =	simm.s32 $0x7180;
	[dreg:$0x7] =	wrdreg s0  }
.LBB2_1:
0x16: {  	s22 =	rddreg [dreg:$0x4]  }
0x17: {  	[tilespmem:s3], [sflag:$0x7] =	stream.linear.gather [hbm4b:s22+s3], $0x1000, $0x38;
	[tilespmem:$0x1A180] =	vst v63  }
0x18: {  	_ =	swait.ge [sflag:s15], $0x1000  }
0x19: {  	[sflag:s15] =	ssyncset.done $0x0  }
0x1a: {  	s24 =	rddreg [dreg:$0x5];
	[sflag:s15] =	ssyncadd.s32 $0xFFFFF000  }
0x1b: {  	[tilespmem:s16], [sflag:$0x7] =	stream.linear.gather [hbm4b:s24+s3], $0x1000, $0x38;
	[tilespmem:$0x1A180] =	vst v63  }
0x1c: {  	_ =	swait.ge [sflag:s15], $0x1000  }
0x1d: {  	[sflag:s15] =	ssyncset.done $0x0  }
0x1e: {  	[sflag:s15] =	ssyncadd.s32 $0xFFFFF000  }
0x1f: {  	[tilespmem:$0x2000] =	vst v1  }
0x20: {  	[tilespmem:$0x2080] =	vst v3  }
0x21: {  	[tilespmem:$0x2090] =	vst v3  }
0x22: {  	[tilespmem:$0x20A0] =	vst v3  }
0x23: {  	[tilespmem:$0x20B0] =	vst v3  }
0x24: {  	[tilespmem:$0x20C0] =	vst v3  }
0x25: {  	[tilespmem:$0x20D0] =	vst v3  }
0x26: {  	[tilespmem:$0x20E0] =	vst v3  }
0x27: {  	s23 =	simm.s32 $0x0;
	s22 =	simm.s32 $0x10;
	[tilespmem:$0x20F0] =	vst v3  }
.LBB2_2:
0x28: {  	v7 =	vld [tilespmem:s22+$0xFFFFFFF0];
	_ =	sdelay $0x4  }
0x29: {  	v7 =	vsub.s32 v7, v0  }
0x2a: {  	vm1 =	vgt.s32 v7, $0x0  }
0x2b: {  	vm2 =	vlt.u32 v7, $0x80;
	v7 =	vnsel vm1, $0x0, v7  }
0x2c: {  	v7 =	vmin.u32 v7, $0x7F;
	_ =	sdelay $0x3  }
0x2d: {  	v8 =	vor.u32 s23, v2  }
0x2e: {  	[tilespmem:v7+s17+$0x0] =	vst.idx.msk vm2, v8  }
0x2f: {  	v7 =	vld [tilespmem:s22+$0x0];
	_ =	sdelay $0x4  }
0x30: {  	v7 =	vsub.s32 v7, v0  }
0x31: {  	vm1 =	vgt.s32 v7, $0x0  }
0x32: {  	vm2 =	vlt.u32 v7, $0x80;
	v7 =	vnsel vm1, $0x0, v7  }
0x33: {  	p0 =	sne.s32 s23, $0xFE0;
	v7 =	vmin.u32 v7, $0x7F  }
.Ltmp0:
0x34: {  	_ = 	snop;
	(pc) =	sbr.rel @p0 .LBB2_2-.Ltmp0, $4  }
0x35: {  	_ = 	snop  }
0x36: {  	s24 =	sadd.s32 $0x10, s23  }
0x37: {  	v8 =	vor.u32 s24, v2  }
0x38: {  	s23 =	sadd.s32 $0x20, s23;
	s22 =	sadd.s32 $0x20, s22;
	[tilespmem:v7+s17+$0x0] =	vst.idx.msk vm2, v8  }
0x39: {  	v7 =	vld [tilespmem:$0x2080];
	_ =	sdelay $0x5  }
0x3a: {  	v8 =	vld [tilespmem:$0x2090];
	_ =	sdelay $0x1  }
0x3b: {  	v7 =	vld.idx.msk [tilespmem:v7+s16+$0x0], $0xffff;
	_ =	sdelay $0x3  }
0x3c: {  	v9 =	vld [tilespmem:$0x20A0]  }
0x3d: {  	[tilespmem:$0x2100] =	vst v7  }
0x3e: {  	v7 =	vld.idx.msk [tilespmem:v8+s16+$0x0], $0xffff;
	_ =	sdelay $0x3  }
0x3f: {  	v8 =	vld [tilespmem:$0x20B0]  }
0x40: {  	[tilespmem:$0x2110] =	vst v7  }
0x41: {  	v7 =	vld.idx.msk [tilespmem:v9+s16+$0x0], $0xffff;
	_ =	sdelay $0x3  }
0x42: {  	v62 =	vld [tilespmem:$0x20C0]  }
0x43: {  	[tilespmem:$0x2120] =	vst v7  }
0x44: {  	v7 =	vld.idx.msk [tilespmem:v8+s16+$0x0], $0xffff;
	_ =	sdelay $0x3  }
0x45: {  	v8 =	vld [tilespmem:$0x20D0]  }
0x46: {  	[tilespmem:$0x2130] =	vst v7  }
0x47: {  	v7 =	vld.idx.msk [tilespmem:v62+s16+$0x0], $0xffff;
	_ =	sdelay $0x3  }
0x48: {  	v63 =	vld [tilespmem:$0x20E0]  }
0x49: {  	[tilespmem:$0x2140] =	vst v7  }
0x4a: {  	v7 =	vld.idx.msk [tilespmem:v8+s16+$0x0], $0xffff;
	_ =	sdelay $0x3  }
0x4b: {  	v8 =	vld [tilespmem:$0x20F0]  }
0x4c: {  	[tilespmem:$0x2150] =	vst v7  }
0x4d: {  	v7 =	vld.idx.msk [tilespmem:v63+s16+$0x0], $0xffff;
	_ =	sdelay $0x4  }
0x4e: {  	[tilespmem:$0x2160] =	vst v7  }
0x4f: {  	v7 =	vld.idx.msk [tilespmem:v8+s16+$0x0], $0xffff;
	_ =	sdelay $0x4  }
0x50: {  	s22 =	rddreg [dreg:$0x6];
	s23 =	simm.s32 $0x2100;
	[tilespmem:$0x2170] =	vst v7  }
0x51: {  	[hbm4b:s22+s3] =	stream.linear.scatter [tilespmem:s23], [sflag:$0x7], $0x80, $0x38;
	[tilespmem:$0x1A180] =	vst v63  }
0x52: {  	_ =	swait.ge [sflag:s15], $0x80  }
0x53: {  	[sflag:s15] =	ssyncset.done $0x0  }
0x54: {  	[sflag:s15] =	ssyncadd.s32 $0xFFFFFF80  }
0x55: {  	v7 =	vld [tilespmem:$0x2080];
	_ =	sdelay $0x4  }
0x56: {  	v8 =	vshll.u32 v7, $0x3  }
0x57: {  	v7 =	vand.u32 $0x7, v7;
	v8 =	vand.u32 $0xFFFFFFC0, v8  }
0x58: {  	v7 =	vor.u32 v7, v8  }
0x59: {  	v8 =	vperm.xlane v7, v4;
	_ =	sdelay $0x1  }
0x5a: {  	v8 =	vadd.s32 v5, v8;
	_ =	sdelay $0x4  }
0x5b: {  	[tilespmem:s19], [sflag:$0x1] =	stream.indirect_vreg.gather [hbm4b:s1+s3], $0x80, v8, vm0, $0xb8;
	[tilespmem:$0x1A180] =	vst v63  }
0x5c: {  	s23 =	simm.s32 $0x2980;
	v7 =	vperm.xlane v7, v6  }
0x5d: {  	[tilespmem:s23], [sflag:$0x1] =	stream.indirect_vreg.gather [hbm4b:s7+s3], $0x80, v8, vm0, $0xb8;
	[tilespmem:$0x1A180] =	vst v63  }
0x5e: {  	s24 =	simm.s32 $0x3180;
	v7 =	vadd.s32 v5, v7  }
0x5f: {  	[tilespmem:s24], [sflag:$0x1] =	stream.indirect_vreg.gather [hbm4b:s8+s3], $0x80, v8, vm0, $0xb8;
	[tilespmem:$0x1A180] =	vst v63  }
0x60: {  	_ = 	snop  }
0x61: {  	[tilespmem:s25], [sflag:$0x1] =	stream.indirect_vreg.gather [hbm4b:s10+s3], $0x80, v8, vm0, $0xb8;
	[tilespmem:$0x1A180] =	vst v63  }
0x62: {  	_ = 	snop  }
0x63: {  	[tilespmem:s26], [sflag:$0x1] =	stream.indirect_vreg.gather [hbm4b:s1+s3], $0x80, v7, vm0, $0xb8;
	[tilespmem:$0x1A180] =	vst v63  }
0x64: {  	_ = 	snop  }
0x65: {  	[tilespmem:s28], [sflag:$0x1] =	stream.indirect_vreg.gather [hbm4b:s7+s3], $0x80, v7, vm0, $0xb8;
	[tilespmem:$0x1A180] =	vst v63  }
0x66: {  	_ = 	snop  }
0x67: {  	[tilespmem:s29], [sflag:$0x1] =	stream.indirect_vreg.gather [hbm4b:s8+s3], $0x80, v7, vm0, $0xb8;
	[tilespmem:$0x1A180] =	vst v63  }
0x68: {  	_ = 	snop  }
0x69: {  	[tilespmem:s30], [sflag:$0x1] =	stream.indirect_vreg.gather [hbm4b:s10+s3], $0x80, v7, vm0, $0xb8;
	[tilespmem:$0x1A180] =	vst v63  }
0x6a: {  	v7 =	vld [tilespmem:$0x2090];
	_ =	sdelay $0x4  }
0x6b: {  	v8 =	vshll.u32 v7, $0x3  }
0x6c: {  	v7 =	vand.u32 $0x7, v7;
	v8 =	vand.u32 $0xFFFFFFC0, v8  }
0x6d: {  	v7 =	vor.u32 v7, v8  }
0x6e: {  	v8 =	vperm.xlane v7, v4;
	_ =	sdelay $0x1  }
0x6f: {  	v8 =	vadd.s32 v5, v8;
	_ =	sdelay $0x4  }
0x70: {  	[tilespmem:s31], [sflag:$0x1] =	stream.indirect_vreg.gather [hbm4b:s1+s3], $0x80, v8, vm0, $0xb8;
	[tilespmem:$0x1A180] =	vst v63  }
0x71: {  	s0 =	simm.s32 $0x6980;
	v7 =	vperm.xlane v7, v6  }
0x72: {  	[tilespmem:s0], [sflag:$0x1] =	stream.indirect_vreg.gather [hbm4b:s7+s3], $0x80, v8, vm0, $0xb8;
	[tilespmem:$0x1A180] =	vst v63  }
0x73: {  	v7 =	vadd.s32 v5, v7  }
0x74: {  	[tilespmem:s2], [sflag:$0x1] =	stream.indirect_vreg.gather [hbm4b:s8+s3], $0x80, v8, vm0, $0xb8;
	[tilespmem:$0x1A180] =	vst v63  }
0x75: {  	_ = 	snop  }
0x76: {  	[tilespmem:s18], [sflag:$0x1] =	stream.indirect_vreg.gather [hbm4b:s10+s3], $0x80, v8, vm0, $0xb8;
	[tilespmem:$0x1A180] =	vst v63  }
0x77: {  	_ = 	snop  }
0x78: {  	[tilespmem:s4], [sflag:$0x1] =	stream.indirect_vreg.gather [hbm4b:s1+s3], $0x80, v7, vm0, $0xb8;
	[tilespmem:$0x1A180] =	vst v63  }
0x79: {  	_ = 	snop  }
0x7a: {  	[tilespmem:s5], [sflag:$0x1] =	stream.indirect_vreg.gather [hbm4b:s7+s3], $0x80, v7, vm0, $0xb8;
	[tilespmem:$0x1A180] =	vst v63  }
0x7b: {  	_ = 	snop  }
0x7c: {  	[tilespmem:s9], [sflag:$0x1] =	stream.indirect_vreg.gather [hbm4b:s8+s3], $0x80, v7, vm0, $0xb8;
	[tilespmem:$0x1A180] =	vst v63  }
0x7d: {  	_ = 	snop  }
0x7e: {  	[tilespmem:s11], [sflag:$0x1] =	stream.indirect_vreg.gather [hbm4b:s10+s3], $0x80, v7, vm0, $0xb8;
	[tilespmem:$0x1A180] =	vst v63  }
0x7f: {  	v7 =	vld [tilespmem:$0x20A0];
	_ =	sdelay $0x4  }
0x80: {  	v8 =	vshll.u32 v7, $0x3  }
0x81: {  	v7 =	vand.u32 $0x7, v7;
	v8 =	vand.u32 $0xFFFFFFC0, v8  }
0x82: {  	v7 =	vor.u32 v7, v8  }
0x83: {  	v8 =	vperm.xlane v7, v4;
	_ =	sdelay $0x1  }
0x84: {  	v8 =	vadd.s32 v5, v8;
	_ =	sdelay $0x4  }
0x85: {  	[tilespmem:s12], [sflag:$0x2] =	stream.indirect_vreg.gather [hbm4b:s1+s3], $0x80, v8, vm0, $0xb8;
	[tilespmem:$0x1A180] =	vst v63  }
0x86: {  	s22 =	simm.s32 $0xA980;
	v7 =	vperm.xlane v7, v6  }
0x87: {  	[tilespmem:s22], [sflag:$0x2] =	stream.indirect_vreg.gather [hbm4b:s7+s3], $0x80, v8, vm0, $0xb8;
	[tilespmem:$0x1A180] =	vst v63  }
0x88: {  	v7 =	vadd.s32 v5, v7;
	s22 =	simm.s32 $0xB180  }
0x89: {  	[tilespmem:s22], [sflag:$0x2] =	stream.indirect_vreg.gather [hbm4b:s8+s3], $0x80, v8, vm0, $0xb8;
	[tilespmem:$0x1A180] =	vst v63  }
0x8a: {  	s22 =	simm.s32 $0xB980  }
0x8b: {  	[tilespmem:s22], [sflag:$0x2] =	stream.indirect_vreg.gather [hbm4b:s10+s3], $0x80, v8, vm0, $0xb8;
	[tilespmem:$0x1A180] =	vst v63  }
0x8c: {  	s22 =	simm.s32 $0xC180  }
0x8d: {  	[tilespmem:s22], [sflag:$0x2] =	stream.indirect_vreg.gather [hbm4b:s1+s3], $0x80, v7, vm0, $0xb8;
	[tilespmem:$0x1A180] =	vst v63  }
0x8e: {  	s22 =	simm.s32 $0xC980  }
0x8f: {  	[tilespmem:s22], [sflag:$0x2] =	stream.indirect_vreg.gather [hbm4b:s7+s3], $0x80, v7, vm0, $0xb8;
	[tilespmem:$0x1A180] =	vst v63  }
0x90: {  	s22 =	simm.s32 $0xD180  }
0x91: {  	[tilespmem:s22], [sflag:$0x2] =	stream.indirect_vreg.gather [hbm4b:s8+s3], $0x80, v7, vm0, $0xb8;
	[tilespmem:$0x1A180] =	vst v63  }
0x92: {  	s22 =	simm.s32 $0xD980  }
0x93: {  	[tilespmem:s22], [sflag:$0x2] =	stream.indirect_vreg.gather [hbm4b:s10+s3], $0x80, v7, vm0, $0xb8;
	[tilespmem:$0x1A180] =	vst v63  }
0x94: {  	v7 =	vld [tilespmem:$0x20B0];
	_ =	sdelay $0x4  }
0x95: {  	v8 =	vshll.u32 v7, $0x3  }
0x96: {  	v7 =	vand.u32 $0x7, v7;
	v8 =	vand.u32 $0xFFFFFFC0, v8  }
0x97: {  	v7 =	vor.u32 v7, v8  }
0x98: {  	v8 =	vperm.xlane v7, v4;
	_ =	sdelay $0x1  }
0x99: {  	v8 =	vadd.s32 v5, v8;
	_ =	sdelay $0x3  }
0x9a: {  	s22 =	simm.s32 $0xE180  }
0x9b: {  	[tilespmem:s22], [sflag:$0x2] =	stream.indirect_vreg.gather [hbm4b:s1+s3], $0x80, v8, vm0, $0xb8;
	[tilespmem:$0x1A180] =	vst v63  }
0x9c: {  	v7 =	vperm.xlane v7, v6;
	s22 =	simm.s32 $0xE980  }
0x9d: {  	[tilespmem:s22], [sflag:$0x2] =	stream.indirect_vreg.gather [hbm4b:s7+s3], $0x80, v8, vm0, $0xb8;
	[tilespmem:$0x1A180] =	vst v63  }
0x9e: {  	v7 =	vadd.s32 v5, v7;
	s22 =	simm.s32 $0xF180  }
0x9f: {  	[tilespmem:s22], [sflag:$0x2] =	stream.indirect_vreg.gather [hbm4b:s8+s3], $0x80, v8, vm0, $0xb8;
	[tilespmem:$0x1A180] =	vst v63  }
0xa0: {  	s22 =	simm.s32 $0xF980  }
0xa1: {  	[tilespmem:s22], [sflag:$0x2] =	stream.indirect_vreg.gather [hbm4b:s10+s3], $0x80, v8, vm0, $0xb8;
	[tilespmem:$0x1A180] =	vst v63  }
0xa2: {  	s22 =	simm.s32 $0x10180  }
0xa3: {  	[tilespmem:s22], [sflag:$0x2] =	stream.indirect_vreg.gather [hbm4b:s1+s3], $0x80, v7, vm0, $0xb8;
	[tilespmem:$0x1A180] =	vst v63  }
0xa4: {  	s22 =	simm.s32 $0x10980  }
0xa5: {  	[tilespmem:s22], [sflag:$0x2] =	stream.indirect_vreg.gather [hbm4b:s7+s3], $0x80, v7, vm0, $0xb8;
	[tilespmem:$0x1A180] =	vst v63  }
0xa6: {  	s22 =	simm.s32 $0x11180  }
0xa7: {  	[tilespmem:s22], [sflag:$0x2] =	stream.indirect_vreg.gather [hbm4b:s8+s3], $0x80, v7, vm0, $0xb8;
	[tilespmem:$0x1A180] =	vst v63  }
0xa8: {  	s22 =	simm.s32 $0x11980  }
0xa9: {  	[tilespmem:s22], [sflag:$0x2] =	stream.indirect_vreg.gather [hbm4b:s10+s3], $0x80, v7, vm0, $0xb8;
	[tilespmem:$0x1A180] =	vst v63  }
0xaa: {  	_ =	swait.ge [sflag:s6], $0x8000  }
0xab: {  	[sflag:s6] =	ssyncset.done $0x0  }
0xac: {  	s22 =	rddreg [dreg:$0xb];
	[sflag:s6] =	ssyncadd.s32 $0xFFFF8000  }
0xad: {  	[hbm4b:s22+s3] =	stream.linear.scatter [tilespmem:s19], [sflag:$0x4], $0x8000, $0x38;
	[tilespmem:$0x1A180] =	vst v63  }
0xae: {  	v7 =	vld [tilespmem:$0x20C0];
	_ =	sdelay $0x4  }
0xaf: {  	v8 =	vshll.u32 v7, $0x3  }
0xb0: {  	v7 =	vand.u32 $0x7, v7;
	v8 =	vand.u32 $0xFFFFFFC0, v8  }
0xb1: {  	v7 =	vor.u32 v7, v8  }
0xb2: {  	v8 =	vperm.xlane v7, v4;
	_ =	sdelay $0x1  }
0xb3: {  	v8 =	vadd.s32 v5, v8;
	_ =	sdelay $0x4  }
0xb4: {  	[tilespmem:s14], [sflag:$0x3] =	stream.indirect_vreg.gather [hbm4b:s1+s3], $0x80, v8, vm0, $0xb8;
	[tilespmem:$0x1A180] =	vst v63  }
0xb5: {  	s22 =	simm.s32 $0x12980;
	v7 =	vperm.xlane v7, v6  }
0xb6: {  	[tilespmem:s22], [sflag:$0x3] =	stream.indirect_vreg.gather [hbm4b:s7+s3], $0x80, v8, vm0, $0xb8;
	[tilespmem:$0x1A180] =	vst v63  }
0xb7: {  	v7 =	vadd.s32 v5, v7;
	s22 =	simm.s32 $0x13180  }
0xb8: {  	[tilespmem:s22], [sflag:$0x3] =	stream.indirect_vreg.gather [hbm4b:s8+s3], $0x80, v8, vm0, $0xb8;
	[tilespmem:$0x1A180] =	vst v63  }
0xb9: {  	s22 =	simm.s32 $0x13980  }
0xba: {  	[tilespmem:s22], [sflag:$0x3] =	stream.indirect_vreg.gather [hbm4b:s10+s3], $0x80, v8, vm0, $0xb8;
	[tilespmem:$0x1A180] =	vst v63  }
0xbb: {  	s22 =	simm.s32 $0x14180  }
0xbc: {  	[tilespmem:s22], [sflag:$0x3] =	stream.indirect_vreg.gather [hbm4b:s1+s3], $0x80, v7, vm0, $0xb8;
	[tilespmem:$0x1A180] =	vst v63  }
0xbd: {  	s22 =	simm.s32 $0x14980  }
0xbe: {  	[tilespmem:s22], [sflag:$0x3] =	stream.indirect_vreg.gather [hbm4b:s7+s3], $0x80, v7, vm0, $0xb8;
	[tilespmem:$0x1A180] =	vst v63  }
0xbf: {  	s22 =	simm.s32 $0x15180  }
0xc0: {  	[tilespmem:s22], [sflag:$0x3] =	stream.indirect_vreg.gather [hbm4b:s8+s3], $0x80, v7, vm0, $0xb8;
	[tilespmem:$0x1A180] =	vst v63  }
0xc1: {  	s22 =	simm.s32 $0x15980  }
0xc2: {  	[tilespmem:s22], [sflag:$0x3] =	stream.indirect_vreg.gather [hbm4b:s10+s3], $0x80, v7, vm0, $0xb8;
	[tilespmem:$0x1A180] =	vst v63  }
0xc3: {  	v7 =	vld [tilespmem:$0x20D0];
	_ =	sdelay $0x4  }
0xc4: {  	v8 =	vshll.u32 v7, $0x3  }
0xc5: {  	v7 =	vand.u32 $0x7, v7;
	v8 =	vand.u32 $0xFFFFFFC0, v8  }
0xc6: {  	v7 =	vor.u32 v7, v8  }
0xc7: {  	v8 =	vperm.xlane v7, v4;
	_ =	sdelay $0x1  }
0xc8: {  	v8 =	vadd.s32 v5, v8;
	_ =	sdelay $0x3  }
0xc9: {  	s22 =	simm.s32 $0x16180  }
0xca: {  	[tilespmem:s22], [sflag:$0x3] =	stream.indirect_vreg.gather [hbm4b:s1+s3], $0x80, v8, vm0, $0xb8;
	[tilespmem:$0x1A180] =	vst v63  }
0xcb: {  	v7 =	vperm.xlane v7, v6;
	s22 =	simm.s32 $0x16980  }
0xcc: {  	[tilespmem:s22], [sflag:$0x3] =	stream.indirect_vreg.gather [hbm4b:s7+s3], $0x80, v8, vm0, $0xb8;
	[tilespmem:$0x1A180] =	vst v63  }
0xcd: {  	v7 =	vadd.s32 v5, v7;
	s22 =	simm.s32 $0x17180  }
0xce: {  	[tilespmem:s22], [sflag:$0x3] =	stream.indirect_vreg.gather [hbm4b:s8+s3], $0x80, v8, vm0, $0xb8;
	[tilespmem:$0x1A180] =	vst v63  }
0xcf: {  	s22 =	simm.s32 $0x17980  }
0xd0: {  	[tilespmem:s22], [sflag:$0x3] =	stream.indirect_vreg.gather [hbm4b:s10+s3], $0x80, v8, vm0, $0xb8;
	[tilespmem:$0x1A180] =	vst v63  }
0xd1: {  	s22 =	simm.s32 $0x18180  }
0xd2: {  	[tilespmem:s22], [sflag:$0x3] =	stream.indirect_vreg.gather [hbm4b:s1+s3], $0x80, v7, vm0, $0xb8;
	[tilespmem:$0x1A180] =	vst v63  }
0xd3: {  	s22 =	simm.s32 $0x18980  }
0xd4: {  	[tilespmem:s22], [sflag:$0x3] =	stream.indirect_vreg.gather [hbm4b:s7+s3], $0x80, v7, vm0, $0xb8;
	[tilespmem:$0x1A180] =	vst v63  }
0xd5: {  	s22 =	simm.s32 $0x19180  }
0xd6: {  	[tilespmem:s22], [sflag:$0x3] =	stream.indirect_vreg.gather [hbm4b:s8+s3], $0x80, v7, vm0, $0xb8;
	[tilespmem:$0x1A180] =	vst v63  }
0xd7: {  	s22 =	simm.s32 $0x19980  }
0xd8: {  	[tilespmem:s22], [sflag:$0x3] =	stream.indirect_vreg.gather [hbm4b:s10+s3], $0x80, v7, vm0, $0xb8;
	[tilespmem:$0x1A180] =	vst v63  }
0xd9: {  	s22 =	simm.s32 $0x2  }
0xda: {  	_ =	swait.ge [sflag:s22], $0x8000  }
0xdb: {  	[sflag:s22] =	ssyncset.done $0x0  }
0xdc: {  	[sflag:s22] =	ssyncadd.s32 $0xFFFF8000;
	s22 =	rddreg [dreg:$0x7]  }
0xdd: {  	[hbm4b:s22+s3] =	stream.linear.scatter [tilespmem:s12], [sflag:$0x5], $0x8000, $0x38;
	[tilespmem:$0x1A180] =	vst v63  }
0xde: {  	_ =	swait.ge [sflag:s13], $0x8000  }
0xdf: {  	[sflag:s13] =	ssyncset.done $0x0  }
0xe0: {  	[sflag:s13] =	ssyncadd.s32 $0xFFFF8000  }
0xe1: {  	v7 =	vld [tilespmem:$0x20E0];
	_ =	sdelay $0x4  }
0xe2: {  	v8 =	vshll.u32 v7, $0x3  }
0xe3: {  	v7 =	vand.u32 $0x7, v7;
	v8 =	vand.u32 $0xFFFFFFC0, v8  }
0xe4: {  	v7 =	vor.u32 v7, v8  }
0xe5: {  	v8 =	vperm.xlane v7, v4;
	_ =	sdelay $0x1  }
0xe6: {  	v8 =	vadd.s32 v5, v8;
	_ =	sdelay $0x4  }
0xe7: {  	[tilespmem:s19], [sflag:$0x1] =	stream.indirect_vreg.gather [hbm4b:s1+s3], $0x80, v8, vm0, $0xb8;
	[tilespmem:$0x1A180] =	vst v63  }
0xe8: {  	v7 =	vperm.xlane v7, v6  }
0xe9: {  	[tilespmem:s23], [sflag:$0x1] =	stream.indirect_vreg.gather [hbm4b:s7+s3], $0x80, v8, vm0, $0xb8;
	[tilespmem:$0x1A180] =	vst v63  }
0xea: {  	v7 =	vadd.s32 v5, v7  }
0xeb: {  	[tilespmem:s24], [sflag:$0x1] =	stream.indirect_vreg.gather [hbm4b:s8+s3], $0x80, v8, vm0, $0xb8;
	[tilespmem:$0x1A180] =	vst v63  }
0xec: {  	_ = 	snop  }
0xed: {  	[tilespmem:s25], [sflag:$0x1] =	stream.indirect_vreg.gather [hbm4b:s10+s3], $0x80, v8, vm0, $0xb8;
	[tilespmem:$0x1A180] =	vst v63  }
0xee: {  	_ = 	snop  }
0xef: {  	[tilespmem:s26], [sflag:$0x1] =	stream.indirect_vreg.gather [hbm4b:s1+s3], $0x80, v7, vm0, $0xb8;
	[tilespmem:$0x1A180] =	vst v63  }
0xf0: {  	_ = 	snop  }
0xf1: {  	[tilespmem:s28], [sflag:$0x1] =	stream.indirect_vreg.gather [hbm4b:s7+s3], $0x80, v7, vm0, $0xb8;
	[tilespmem:$0x1A180] =	vst v63  }
0xf2: {  	_ = 	snop  }
0xf3: {  	[tilespmem:s29], [sflag:$0x1] =	stream.indirect_vreg.gather [hbm4b:s8+s3], $0x80, v7, vm0, $0xb8;
	[tilespmem:$0x1A180] =	vst v63  }
0xf4: {  	_ = 	snop  }
0xf5: {  	[tilespmem:s30], [sflag:$0x1] =	stream.indirect_vreg.gather [hbm4b:s10+s3], $0x80, v7, vm0, $0xb8;
	[tilespmem:$0x1A180] =	vst v63  }
0xf6: {  	v7 =	vld [tilespmem:$0x20F0];
	_ =	sdelay $0x4  }
0xf7: {  	v8 =	vshll.u32 v7, $0x3  }
0xf8: {  	v7 =	vand.u32 $0x7, v7;
	v8 =	vand.u32 $0xFFFFFFC0, v8  }
0xf9: {  	v7 =	vor.u32 v7, v8  }
0xfa: {  	v8 =	vperm.xlane v7, v4;
	_ =	sdelay $0x1  }
0xfb: {  	v8 =	vadd.s32 v5, v8;
	_ =	sdelay $0x4  }
0xfc: {  	[tilespmem:s31], [sflag:$0x1] =	stream.indirect_vreg.gather [hbm4b:s1+s3], $0x80, v8, vm0, $0xb8;
	[tilespmem:$0x1A180] =	vst v63  }
0xfd: {  	v7 =	vperm.xlane v7, v6  }
0xfe: {  	[tilespmem:s0], [sflag:$0x1] =	stream.indirect_vreg.gather [hbm4b:s7+s3], $0x80, v8, vm0, $0xb8;
	[tilespmem:$0x1A180] =	vst v63  }
0xff: {  	v7 =	vadd.s32 v5, v7  }
0x100: {  	[tilespmem:s2], [sflag:$0x1] =	stream.indirect_vreg.gather [hbm4b:s8+s3], $0x80, v8, vm0, $0xb8;
	[tilespmem:$0x1A180] =	vst v63  }
0x101: {  	_ = 	snop  }
0x102: {  	[tilespmem:s18], [sflag:$0x1] =	stream.indirect_vreg.gather [hbm4b:s10+s3], $0x80, v8, vm0, $0xb8;
	[tilespmem:$0x1A180] =	vst v63  }
0x103: {  	_ = 	snop  }
0x104: {  	[tilespmem:s4], [sflag:$0x1] =	stream.indirect_vreg.gather [hbm4b:s1+s3], $0x80, v7, vm0, $0xb8;
	[tilespmem:$0x1A180] =	vst v63  }
0x105: {  	_ = 	snop  }
0x106: {  	[tilespmem:s5], [sflag:$0x1] =	stream.indirect_vreg.gather [hbm4b:s7+s3], $0x80, v7, vm0, $0xb8;
	[tilespmem:$0x1A180] =	vst v63  }
0x107: {  	_ = 	snop  }
0x108: {  	[tilespmem:s9], [sflag:$0x1] =	stream.indirect_vreg.gather [hbm4b:s8+s3], $0x80, v7, vm0, $0xb8;
	[tilespmem:$0x1A180] =	vst v63  }
0x109: {  	s24 =	simm.s32 $0x3  }
0x10a: {  	[tilespmem:s11], [sflag:$0x1] =	stream.indirect_vreg.gather [hbm4b:s10+s3], $0x80, v7, vm0, $0xb8;
	[tilespmem:$0x1A180] =	vst v63  }
0x10b: {  	_ =	swait.ge [sflag:s24], $0x8000  }
0x10c: {  	[sflag:s24] =	ssyncset.done $0x0  }
0x10d: {  	s0 =	rddreg [dreg:$0x8];
	[sflag:s24] =	ssyncadd.s32 $0xFFFF8000  }
0x10e: {  	[hbm4b:s0+s3] =	stream.linear.scatter [tilespmem:s14], [sflag:$0x6], $0x8000, $0x38;
	[tilespmem:$0x1A180] =	vst v63  }
0x10f: {  	_ =	swait.ge [sflag:s6], $0x8000  }
0x110: {  	[sflag:s6] =	ssyncset.done $0x0  }
0x111: {  	s23 =	rddreg [dreg:$0x9];
	[sflag:s6] =	ssyncadd.s32 $0xFFFF8000  }
0x112: {  	[hbm4b:s23+s3] =	stream.linear.scatter [tilespmem:s19], [sflag:$0x4], $0x8000, $0x38;
	[tilespmem:$0x1A180] =	vst v63  }
0x113: {  	_ =	swait.ge [sflag:s20], $0x8000  }
0x114: {  	[sflag:s20] =	ssyncset.done $0x0  }
0x115: {  	[sflag:s20] =	ssyncadd.s32 $0xFFFF8000  }
0x116: {  	_ =	swait.ge [sflag:s13], $0x8000  }
0x117: {  	s21 =	sadd.s32 $0x1, s21;
	s24 =	rddreg [dreg:$0xa]  }
0x118: {  	p0 =	sne.s32 s21, s24  }
.Ltmp1:
0x119: {  	_ = 	snop;
	(pc) =	sbr.rel @p0 .LBB2_1-.Ltmp1, $3  }
0x11a: {  	_ =	sdelay $0x1  }
0x11b: {  	[sflag:s13] =	ssyncset.done $0x0  }
0x11c: {  	[sflag:s13] =	ssyncadd.s32 $0xFFFF8000  }
0x11d: {  	_ =	sfence.sel $0x180000  }
0x11e: {  	[bflag:$0x0] =	sbarrier.arrive $0xFFFF  }
0x11f: {  	_ =	strace $0x90000047  }
0x120: {  	s0 =	stileid.u32;
	[bflag:$0x2] =	sbarrier.arrive $0xFFFF  }
0x121: {  	p0 =	sne.s32 s0, $0x0;
	s0 =	rddreg [dreg:$0x3]  }
0x122: {  	s0 =	sadd.s32 @!p0 $0x100000, s0  }
0x123: {  	[sflag:s0] =	ssyncadd.tile.s32 @!p0 $0x1;
	_ =	shalt  }
.Lfunc_end2:
_tile_overlayer_lowered:
.L_overlay_start_2:
0x124: {  	(tag) =	ssettag $0x2  }
0x125: {  	s0 =	rddreg [dreg:$0x0];
	s2 =	stileid.u32  }
0x126: {  	s1 =	rddreg [dreg:$0x1];
	p0 =	sne.s32 s2, $0x0  }
0x127: {  	s3 =	rddreg [dreg:$0x2];
	[bflag:$0x3] =	sbarrier.arrive $0xFFFF;
	s2 =	simm.s32 @!p0 $0x1C07  }
0x128: {  	[timem:s3], [sflag:s2] =	dma.local @!p0 [hbm:s0], s1  }
0x129: {  	s0 =	simm.s32 @!p0 $0x7  }
0x12a: {  	_ =	swait.ge @!p0 [sflag:s0], s1  }
0x12b: {  	s1 =	ssub.s32 @!p0 $0x0, s1;
	[sflag:s0] =	ssyncset.done @!p0 $0x0  }
0x12c: {  	[sflag:s0] =	ssyncadd.s32 @!p0 s1  }
0x12d: {  	[bflag:$0x3] =	sbarrier.arrive $0xFFFF  }
0x12e: {  	_ =	shalt  }

// kernel: kernel.9.cloned.1.call-start
scs
__scs_entry_jumppad:
0x0: {  	(pc) =	sbr.rel $0x88, $3  }
0x1: {  	(tag) =	ssettag $0x0;
	lr =	simm.s32 $0x1  }
0x2: {  	[smem:$0x3F9A] =	sst lr;
	_ =	strace $0xD0000000  }
0x3: {  	_ = 	snop  }
0x4: {  	_ = 	snop  }
0x5: {  	_ = 	snop  }
0x6: {  	_ = 	snop  }
0x7: {  	_ = 	snop  }
__scs_overlays_trampoline_lowered:
0x8: {  	[smem:$0x3FA9] =	sst s0  }
0x9: {  	[smem:$0x3FAA] =	sst s1  }
0xa: {  	[smem:$0x3FAB] =	sst s2  }
0xb: {  	[smem:$0x3FAC] =	sst s3  }
0xc: {  	[smem:$0x3FAD] =	sst s4  }
0xd: {  	[smem:$0x3FAE] =	sst s5  }
0xe: {  	[smem:$0x3FAF] =	sst s6  }
0xf: {  	[smem:$0x3FB0] =	sst s7  }
0x10: {  	[smem:$0x3FB1] =	sst s8  }
0x11: {  	[smem:$0x3FB2] =	sst s9;
	s0 =	simm.s32 @!p0 $0x0  }
0x12: {  	s1 =	sld [smem:$0x3F98];
	s0 =	simm.s32 @p0 $0x1  }
0x13: {  	[smem:$0x3FB3] =	sst s0;
	s0 =	simm.s32 @!p1 $0x0  }
0x14: {  	s2 =	sld [smem:$0x3F97];
	s0 =	simm.s32 @p1 $0x1  }
0x15: {  	[smem:$0x3FB4] =	sst s0;
	s0 =	simm.s32 @!p2 $0x0  }
0x16: {  	s3 =	sld [smem:$0x3FDB];
	s0 =	simm.s32 @p2 $0x1  }
0x17: {  	s4 =	simm.s32 $0x1BF5;
	[smem:$0x3FB6] =	sst s0  }
0x18: {  	s0 =	sld [smem:$0x3F99];
	_ =	swait.ge [sflag:s4], $0x0  }
0x19: {  	s7 =	sld [smem:$0x3F9A]  }
0x1a: {  	s8 =	sadd.s32 $0xFFFFE003, lr  }
0x1b: {  	s9 =	sadd.s32 $0xFFFFFEF7, lr;
	s5 =	simm.s32 $0xFFFFFFFF;
	p2 =	slt.u32 s8, $0xFFFFF086  }
0x1c: {  	p1 =	slt.u32 s9, $0xF7A;
	s5 =	simm.s32 @!p2 $0x0  }
0x1d: {  	s5 =	simm.s32 @p1 $0x1;
	p0 =	seq.s32 s7, s2  }
0x1e: {  	s7 =	smul.u32 @!p0 $0xF7A, s2;
	p2 =	seq.s32 @!p0 s5, $0x0  }
0x1f: {  	s9 =	smul.u32 $0xF7A, s1;
	s8 =	simm.s32 @!p0 $0x1BF5;
	p2 =	por !p2, p0  }
0x20: {  	[sflag:s8] =	ssyncset.s32 @!p0 $0xFFFFF086;
	s6 =	sadd.s32 @!p0 s3, s7;
	s7 =	simm.s32 @!p0 $0x108  }
0x21: {  	s3 =	sadd.s32 s3, s9;
	s6 =	sadd.s32 @!p0 $0x88, s6;
	s7 =	simm.s32 @p2 $0x1082  }
0x22: {  	[simem:s7], [sflag:s8] =	dma.local @!p0 [hbm:s6], $0xF7A  }
0x23: {  	s9 =	sor.u32 $0xD0000000, s2;
	s6 =	simm.s32 $0x108;
	_ =	swait.ge @!p0 [sflag:s8], $0x0  }
0x24: {  	s3 =	sadd.s32 $0x88, s3;
	s6 =	simm.s32 @!p1 $0x1082;
	[sflag:s4] =	ssyncset.s32 $0xFFFFF086  }
0x25: {  	[simem:s6], [sflag:s4] =	dma.local [hbm:s3], $0xF7A  }
0x26: {  	[smem:$0x3F9A] =	sst s1;
	(tag) =	ssettag s2;
	_ =	strace s9  }
0x27: {  	s1 =	sld [smem:$0x3FAA]  }
0x28: {  	s2 =	sld [smem:$0x3FAB]  }
0x29: {  	s4 =	sld [smem:$0x3FAD]  }
0x2a: {  	p0 =	seq.s32 s5, $0x0;
	s5 =	sld [smem:$0x3FAE]  }
0x2b: {  	s6 =	sld [smem:$0x3FAF]  }
0x2c: {  	s7 =	sld [smem:$0x3FB0]  }
0x2d: {  	s3 =	simm.s32 $0x108;
	s8 =	sld [smem:$0x3FB1]  }
0x2e: {  	s3 =	simm.s32 @!p0 $0x1082;
	s9 =	sld [smem:$0x3FB2]  }
0x2f: {  	lr =	sadd.s32 s0, s3;
	s0 =	sld [smem:$0x3FA9]  }
0x30: {  	s3 =	sld [smem:$0x3FAC]  }
0x31: {  	[smem:$0x3FB5] =	sst s10  }
0x32: {  	s10 =	sld [smem:$0x3FB3];
	_ =	sdelay $0x3  }
0x33: {  	p0 =	seq.s32 s10, $0x1;
	s10 =	sld [smem:$0x3FB5];
	_ =	sdelay $0x3  }
0x34: {  	[smem:$0x3FB5] =	sst s10  }
0x35: {  	s10 =	sld [smem:$0x3FB4];
	_ =	sdelay $0x3  }
0x36: {  	p1 =	seq.s32 s10, $0x1;
	s10 =	sld [smem:$0x3FB5];
	_ =	sdelay $0x3  }
0x37: {  	[smem:$0x3FB5] =	sst s10  }
0x38: {  	s10 =	sld [smem:$0x3FB6]  }
0x39: {  	_ = 	snop;
	(pc) =	sbr.ind lr, $3  }
0x3a: {  	_ = 	snop  }
0x3b: {  	_ = 	snop  }
0x3c: {  	p2 =	seq.s32 s10, $0x1;
	s10 =	sld [smem:$0x3FB5]  }
0x3d: {  	_ =	shalt  }
0x3e: {  	_ =	shalt  }
0x3f: {  	_ =	shalt  }
0x40: {  	_ =	shalt  }
0x41: {  	_ =	shalt  }
0x42: {  	_ =	shalt  }
0x43: {  	_ =	shalt  }
0x44: {  	_ =	shalt  }
0x45: {  	_ =	shalt  }
0x46: {  	_ =	shalt  }
0x47: {  	_ =	shalt  }
0x48: {  	_ =	shalt  }
0x49: {  	_ =	shalt  }
0x4a: {  	_ =	shalt  }
0x4b: {  	_ =	shalt  }
0x4c: {  	_ =	shalt  }
0x4d: {  	_ =	shalt  }
0x4e: {  	_ =	shalt  }
0x4f: {  	_ =	shalt  }
0x50: {  	_ =	shalt  }
0x51: {  	_ =	shalt  }
0x52: {  	_ =	shalt  }
0x53: {  	_ =	shalt  }
0x54: {  	_ =	shalt  }
0x55: {  	_ =	shalt  }
0x56: {  	_ =	shalt  }
0x57: {  	_ =	shalt  }
0x58: {  	_ =	shalt  }
0x59: {  	_ =	shalt  }
0x5a: {  	_ =	shalt  }
0x5b: {  	_ =	shalt  }
0x5c: {  	_ =	shalt  }
0x5d: {  	_ =	shalt  }
0x5e: {  	_ =	shalt  }
0x5f: {  	_ =	shalt  }
0x60: {  	_ =	shalt  }
0x61: {  	_ =	shalt  }
0x62: {  	_ =	shalt  }
0x63: {  	_ =	shalt  }
0x64: {  	_ =	shalt  }
0x65: {  	_ =	shalt  }
0x66: {  	_ =	shalt  }
0x67: {  	_ =	shalt  }
0x68: {  	_ =	shalt  }
0x69: {  	_ =	shalt  }
0x6a: {  	_ =	shalt  }
0x6b: {  	_ =	shalt  }
0x6c: {  	_ =	shalt  }
0x6d: {  	_ =	shalt  }
0x6e: {  	_ =	shalt  }
0x6f: {  	_ =	shalt  }
0x70: {  	_ =	shalt  }
0x71: {  	_ =	shalt  }
0x72: {  	_ =	shalt  }
0x73: {  	_ =	shalt  }
0x74: {  	_ =	shalt  }
0x75: {  	_ =	shalt  }
0x76: {  	_ =	shalt  }
0x77: {  	_ =	shalt  }
0x78: {  	_ =	shalt  }
0x79: {  	_ =	shalt  }
0x7a: {  	_ =	shalt  }
0x7b: {  	_ =	shalt  }
0x7c: {  	_ =	shalt  }
0x7d: {  	_ =	shalt  }
0x7e: {  	_ =	shalt  }
0x7f: {  	_ =	shalt  }
0x80: {  	_ =	shalt  }
0x81: {  	_ =	shalt  }
0x82: {  	_ =	shalt  }
0x83: {  	_ =	shalt  }
0x84: {  	_ =	shalt  }
0x85: {  	_ =	shalt  }
0x86: {  	_ =	shalt  }
0x87: {  	_ =	shalt  }
.Lfunc_end0:
.L_simem_size_0:
called_computation.1_lowered:
.L_overlay_start_0:
0x88: {  	s2 =	sld [smem:$0x3FD9]  }
0x89: {  	s3 =	sld [smem:$0x3FFE];
	_ =	sdelay $0x1  }
0x8a: {  	s1 =	srdreg.scid  }
0x8b: {  	s0 =	sand.u32 $0x1, s1  }
0x8c: {  	s17 =	sshll.u32 s0, $0xA;
	s2 =	sadd.s32 s3, s2  }
0x8d: {  	s2 =	sadd.s32 s2, s17  }
0x8e: {  	[smem:$0x3FC1] =	sst s2  }
0x8f: {  	_ = 	snop  }
0x90: {  	s2 =	sld [smem:$0x3FD0];
	(tm) =	ssettm $0x1  }
0x91: {  	s18 =	sld [smem:$0x3FFB];
	_ =	sdelay $0x3  }
0x92: {  	_ =	strace s18  }
0x93: {  	s3 =	sld [smem:$0x3FFC];
	_ =	sdelay $0x3  }
0x94: {  	_ =	strace s3  }
0x95: {  	s3 =	sld [smem:$0x3FFD];
	_ =	sdelay $0x3  }
0x96: {  	_ =	strace s3  }
0x97: {  	_ =	strace $0x8FFFFFFF  }
0x98: {  	s19 =	sld [smem:$0x3FDB];
	_ =	sdelay $0x1  }
0x99: {  	s4 =	simm.s32 $_scs_section_size  }
0x9a: {  	s5 =	simm.s32 $_size__tile_overlayer_lowered;
	s6 =	simm.s32 $_tile_overlayer_lowered  }
0x9b: {  	s22 =	simm.s32 $0x1BFF;
	s21 =	sshll.u32 s6, $0x1;
	s3 =	sadd.s32 s4, s19  }
0x9c: {  	s7 =	simm.s32 $0x0;
	s20 =	sshll.u32 s5, $0x1;
	s5 =	sadd.s32 s21, s3  }
0x9d: {  	[timem:s7], [sflag:s22] =	dma.local [hbm:s5], s20  }
0x9e: {  	_ =	swait.ge [sflag:s22], s20  }
0x9f: {  	s4 =	ssub.s32 $0x0, s20;
	[sflag:s22] =	ssyncset.done $0x0  }
0xa0: {  	[sflag:s22] =	ssyncadd.s32 s4;
	_ =	sdelay $0x1  }
0xa1: {  	s23 =	simm.s32 $0x1B8B  }
0xa2: {  	_ =	swait.ge [sflag:s23], $0x1  }
0xa3: {  	[sflag:s23] =	ssyncset.done $0x0  }
0xa4: {  	s25 =	simm.s32 $0x1B8E;
	s24 =	sld [smem:$0x3FFE];
	[sflag:s23] =	ssyncadd.s32 $0xFFFFFFFF  }
0xa5: {  	s26 =	simm.s32 $execute0_lowered;
	[smem:$0x3FD2] =	sst s25  }
0xa6: {  	s5 =	sshll.u32 s26, $0x1;
	_ =	strace $0x80000049;
	[dreg:$0x1] =	wrdreg $0xFFFFFFFF  }
0xa7: {  	s28 =	simm.s32 $_size_execute0_lowered;
	s3 =	sadd.s32 s3, s5;
	[dreg:$0x0] =	wrdreg $0x0  }
0xa8: {  	s5 =	sshll.u32 s28, $0x1;
	[dreg:$0x2] =	wrdreg s3  }
0xa9: {  	[dreg:$0x3] =	wrdreg s5  }
0xaa: {  	[dreg:$0x4] =	wrdreg $0xC0  }
0xab: {  	_ =	task [dreg:s7], $0x5FFFF  }
0xac: {  	[dreg:$0x1] =	wrdreg $0xFFFFFFFF  }
0xad: {  	[dreg:$0x0] =	wrdreg $0x60  }
0xae: {  	[dreg:$0x2] =	wrdreg s24  }
0xaf: {  	[dreg:$0x3] =	wrdreg s2  }
0xb0: {  	[dreg:$0x4] =	wrdreg $0x9  }
0xb1: {  	_ =	task.clear_ibuf [dreg:s7], $0x5FFFF;
	_ =	strace $0x90000049  }
0xb2: {  	s29 =	simm.s32 $0x9;
	_ =	strace $0x8000004B  }
0xb3: {  	_ =	swait.ge [sflag:s29], $0x1  }
0xb4: {  	[sflag:s29] =	ssyncadd.s32 $0xFFFFFFFF  }
0xb5: {  	_ =	strace $0x9000004B  }
0xb6: {  	_ =	sfence  }
0xb7: {  	s30 =	sld [smem:$0x0];
	_ =	sdelay $0x2  }
0xb8: {  	s31 =	sshll.u32 s1, $0xD;
	s1 =	sshrl.u32 s1, $0x2  }
0xb9: {  	s3 =	sand.u32 $0x4000, s31;
	s1 =	sadd.s32 s1, s30  }
0xba: {  	s0 =	sor.u32 s3, s0;
	s1 =	sshll.u32 s1, $0x11  }
0xbb: {  	s0 =	sor.u32 s1, s0  }
0xbc: {  	s0 =	sadd.s32 $0x8F2B, s0  }
0xbd: {  	[sflag:s0] =	ssyncadd.remote.s32 $0x1  }
0xbe: {  	_ =	sfence.sel $0xFFFF  }
0xbf: {  	[dreg:$0x0] =	wrdreg $0xFFFFFFFF;
	(pc) =	sbr.abs _section_cstart, $3  }
0xc0: {  	[dreg:$0x1] =	wrdreg $0xFFFFFFFF  }
0xc1: {  	_ =	task.clear_ibuf [dreg:s7], $0x2FFFF;
	_ =	strace $0x9FFFFFFF  }
0xc2: {  	(tm) =	ssettm $0x7FFFFFFF  }
0xc3: {  	_ =	shalt  }
tec
execute0_lowered:
.L_overlay_start_1:
0x0: {  	(tag) =	ssettag $0x1  }
0x1: {  	s0 =	srdreg.scid  }
0x2: {  	s2 =	stileid.u32;
	s0 =	sand.u32 $0x1, s0  }
0x3: {  	s1 =	rddreg [dreg:$0x0];
	s2 =	sshll.u32 s2, $0x8;
	s3 =	sshll.u32 s0, $0x7  }
0x4: {  	s4 =	rddreg [dreg:$0x1];
	s3 =	sor.u32 s3, s2;
	s2 =	simm.s32 $0x0  }
0x5: {  	s20 =	simm.s32 $0x8880;
	[smem:$0x7FF] =	sst s2  }
0x6: {  	s21 =	simm.s32 $0x9080;
	_ =	strace $0x8000004A;
	[dreg:$0x7] =	wrdreg s20  }
0x7: {  	s22 =	simm.s32 $0x9880;
	[dreg:$0x8] =	wrdreg s21  }
0x8: {  	s23 =	simm.s32 $0xA080;
	s24 =	simm.s32 $0xA880;
	[dreg:$0x9] =	wrdreg s22  }
0x9: {  	s25 =	simm.s32 $0xB080;
	s26 =	simm.s32 $0xB880;
	[dreg:$0xa] =	wrdreg s23  }
0xa: {  	s7 =	simm.s32 $0xC880;
	s8 =	simm.s32 $0xD080;
	[dreg:$0xb] =	wrdreg s24  }
0xb: {  	s9 =	simm.s32 $0xE880;
	s10 =	simm.s32 $0xF080;
	[dreg:$0xc] =	wrdreg s25  }
0xc: {  	s11 =	simm.s32 $0xF880;
	s12 =	simm.s32 $0x10880;
	[dreg:$0xd] =	wrdreg s26  }
0xd: {  	s13 =	simm.s32 $0x11080;
	s14 =	simm.s32 $0x11880;
	[dreg:$0xf] =	wrdreg s7  }
0xe: {  	s15 =	simm.s32 $0x12080;
	s16 =	simm.s32 $0x12880;
	[dreg:$0x10] =	wrdreg s8  }
0xf: {  	s17 =	simm.s32 $0x13080;
	s28 =	simm.s32 $0x1;
	[dreg:$0x13] =	wrdreg s9  }
0x10: {  	s30 =	simm.s32 $0x2;
	s31 =	simm.s32 $0x4;
	[dreg:$0x14] =	wrdreg s10  }
0x11: {  	s29 =	simm.s32 $0x8080;
	s0 =	ssub.s32 $0x2, s0;
	[dreg:$0x15] =	wrdreg s11  }
0x12: {  	s6 =	sshrl.u32 s0, $0x1;
	s5 =	sshrl.u32 s3, $0x3;
	[dreg:$0x16] =	wrdreg s12  }
0x13: {  	s3 =	sshll.u32 s3, $0x7;
	s0 =	ssub.s32 s0, s6;
	[dreg:$0x17] =	wrdreg s13  }
0x14: {  	s6 =	sadd.s32 $0x2A00, s1;
	s5 =	sadd.s32 s5, s1;
	[dreg:$0x18] =	wrdreg s14  }
0x15: {  	s3 =	sadd.s32 s4, s3;
	s7 =	simm.s32 $0xD880;
	[dreg:$0x19] =	wrdreg s15  }
0x16: {  	s8 =	simm.s32 $0xE080;
	s10 =	simm.s32 $0x80;
	[dreg:$0x1a] =	wrdreg s16  }
0x17: {  	[dreg:$0x1b] =	wrdreg s17;
	s20 =	simm.s32 $0x14880;
	s21 =	simm.s32 $0x15080  }
0x18: {  	s22 =	simm.s32 $0x15880;
	s23 =	simm.s32 $0x16080;
	[smem:$0x7F8] =	sst s3  }
0x19: {  	s24 =	simm.s32 $0x16880;
	s25 =	simm.s32 $0x17080;
	[dreg:$0x11] =	wrdreg s7  }
0x1a: {  	s26 =	simm.s32 $0x17880;
	s12 =	simm.s32 $0x880;
	[dreg:$0x12] =	wrdreg s8  }
0x1b: {  	s13 =	simm.s32 $0x1080;
	s14 =	simm.s32 $0x1880;
	[dreg:$0x1e] =	wrdreg s20  }
0x1c: {  	s15 =	simm.s32 $0x2080;
	s16 =	simm.s32 $0x2880;
	[dreg:$0x1f] =	wrdreg s21  }
0x1d: {  	s17 =	simm.s32 $0x3080;
	s9 =	simm.s32 $0x10080;
	[smem:$0x7F9] =	sst s22  }
0x1e: {  	s5 =	sadd.s32 $0x1A00, s5;
	s4 =	sadd.s32 $0x1000, s3;
	[smem:$0x7FA] =	sst s23  }
0x1f: {  	s18 =	sadd.s32 $0x2000, s3;
	s19 =	sadd.s32 $0x3000, s3;
	[smem:$0x7FB] =	sst s24  }
0x20: {  	s3 =	simm.s32 $0xC080;
	s7 =	sadd.s32 $0x2B00, s1;
	[smem:$0x7FC] =	sst s25  }
0x21: {  	s8 =	smax.u32 s0, $0x1;
	[smem:$0x7FD] =	sst s26;
	s0 =	simm.s32 $0x6  }
0x22: {  	s20 =	simm.s32 $0x4880;
	s21 =	simm.s32 $0x5080;
	[dreg:$0x3] =	wrdreg s5  }
0x23: {  	s22 =	simm.s32 $0x5880;
	s23 =	simm.s32 $0x6080;
	[dreg:$0x4] =	wrdreg s4  }
0x24: {  	s24 =	simm.s32 $0x6880;
	s25 =	simm.s32 $0x7080;
	[dreg:$0x5] =	wrdreg s18  }
0x25: {  	s26 =	simm.s32 $0x7880;
	[dreg:$0x6] =	wrdreg s19;
	s4 =	sadd.s32 $0x2800, s1  }
0x26: {  	v2 =	vlaneseq.u32;
	[dreg:$0xe] =	wrdreg s3;
	s5 =	sadd.s32 $0x2900, s1;
	s18 =	simm.s32 $0x13880  }
0x27: {  	vm0 =	vmmov $0xffff;
	v1 =	vshrl.u32 v2, $0x3;
	s19 =	simm.s32 $0x14080;
	s1 =	simm.s32 $0x3;
	[dreg:$0x1c] =	wrdreg s18  }
0x28: {  	v0 =	vand.u32 $0x7, v2;
	v2 =	vor.u32 $0x8, v2;
	v1 =	vmul.u32 $0x8, v1;
	[dreg:$0x1d] =	wrdreg s19;
	s18 =	simm.s32 $0x3880;
	s19 =	simm.s32 $0x4080  }
.LBB2_1:
0x29: {  	s3 =	rddreg [dreg:$0x3];
	s11 =	simm.s32 $0x7  }
0x2a: {  	[tilespmem:s2], [sflag:$0x7] =	stream.linear.gather [hbm4b:s3+s2], $0x80, $0x38;
	[tilespmem:$0x18080] =	vst v63  }
0x2b: {  	_ =	swait.ge [sflag:s11], $0x80  }
0x2c: {  	[sflag:s11] =	ssyncset.done $0x0  }
0x2d: {  	[sflag:s11] =	ssyncadd.s32 $0xFFFFFF80  }
0x2e: {  	v3 =	vld [tilespmem:$0x0];
	_ =	sdelay $0x4  }
0x2f: {  	v4 =	vshll.u32 v3, $0x3  }
0x30: {  	v3 =	vand.u32 $0x7, v3;
	v4 =	vand.u32 $0xFFFFFFC0, v4  }
0x31: {  	v3 =	vor.u32 v3, v4  }
0x32: {  	v4 =	vperm.xlane v3, v0;
	_ =	sdelay $0x1  }
0x33: {  	v4 =	vadd.s32 v1, v4;
	_ =	sdelay $0x4  }
0x34: {  	[tilespmem:s10], [sflag:$0x1] =	stream.indirect_vreg.gather [hbm4b:s4+s2], $0x80, v4, vm0, $0xb8;
	[tilespmem:$0x18080] =	vst v63  }
0x35: {  	v3 =	vperm.xlane v3, v2  }
0x36: {  	[tilespmem:s12], [sflag:$0x1] =	stream.indirect_vreg.gather [hbm4b:s5+s2], $0x80, v4, vm0, $0xb8;
	[tilespmem:$0x18080] =	vst v63  }
0x37: {  	v3 =	vadd.s32 v1, v3  }
0x38: {  	[tilespmem:s13], [sflag:$0x1] =	stream.indirect_vreg.gather [hbm4b:s6+s2], $0x80, v4, vm0, $0xb8;
	[tilespmem:$0x18080] =	vst v63  }
0x39: {  	_ = 	snop  }
0x3a: {  	[tilespmem:s14], [sflag:$0x1] =	stream.indirect_vreg.gather [hbm4b:s7+s2], $0x80, v4, vm0, $0xb8;
	[tilespmem:$0x18080] =	vst v63  }
0x3b: {  	_ = 	snop  }
0x3c: {  	[tilespmem:s15], [sflag:$0x1] =	stream.indirect_vreg.gather [hbm4b:s4+s2], $0x80, v3, vm0, $0xb8;
	[tilespmem:$0x18080] =	vst v63  }
0x3d: {  	_ = 	snop  }
0x3e: {  	[tilespmem:s16], [sflag:$0x1] =	stream.indirect_vreg.gather [hbm4b:s5+s2], $0x80, v3, vm0, $0xb8;
	[tilespmem:$0x18080] =	vst v63  }
0x3f: {  	_ = 	snop  }
0x40: {  	[tilespmem:s17], [sflag:$0x1] =	stream.indirect_vreg.gather [hbm4b:s6+s2], $0x80, v3, vm0, $0xb8;
	[tilespmem:$0x18080] =	vst v63  }
0x41: {  	_ = 	snop  }
0x42: {  	[tilespmem:s18], [sflag:$0x1] =	stream.indirect_vreg.gather [hbm4b:s7+s2], $0x80, v3, vm0, $0xb8;
	[tilespmem:$0x18080] =	vst v63  }
0x43: {  	v3 =	vld [tilespmem:$0x10];
	_ =	sdelay $0x4  }
0x44: {  	v57 =	vshll.u32 v3, $0x3  }
0x45: {  	v3 =	vand.u32 $0x7, v3;
	v4 =	vand.u32 $0xFFFFFFC0, v57  }
0x46: {  	v3 =	vor.u32 v3, v4  }
0x47: {  	v4 =	vperm.xlane v3, v0;
	_ =	sdelay $0x1  }
0x48: {  	v4 =	vadd.s32 v1, v4;
	_ =	sdelay $0x4  }
0x49: {  	[tilespmem:s19], [sflag:$0x1] =	stream.indirect_vreg.gather [hbm4b:s4+s2], $0x80, v4, vm0, $0xb8;
	[tilespmem:$0x18080] =	vst v63  }
0x4a: {  	v3 =	vperm.xlane v3, v2  }
0x4b: {  	[tilespmem:s20], [sflag:$0x1] =	stream.indirect_vreg.gather [hbm4b:s5+s2], $0x80, v4, vm0, $0xb8;
	[tilespmem:$0x18080] =	vst v63  }
0x4c: {  	v3 =	vadd.s32 v1, v3  }
0x4d: {  	[tilespmem:s21], [sflag:$0x1] =	stream.indirect_vreg.gather [hbm4b:s6+s2], $0x80, v4, vm0, $0xb8;
	[tilespmem:$0x18080] =	vst v63  }
0x4e: {  	_ = 	snop  }
0x4f: {  	[tilespmem:s22], [sflag:$0x1] =	stream.indirect_vreg.gather [hbm4b:s7+s2], $0x80, v4, vm0, $0xb8;
	[tilespmem:$0x18080] =	vst v63  }
0x50: {  	_ = 	snop  }
0x51: {  	[tilespmem:s23], [sflag:$0x1] =	stream.indirect_vreg.gather [hbm4b:s4+s2], $0x80, v3, vm0, $0xb8;
	[tilespmem:$0x18080] =	vst v63  }
0x52: {  	_ = 	snop  }
0x53: {  	[tilespmem:s24], [sflag:$0x1] =	stream.indirect_vreg.gather [hbm4b:s5+s2], $0x80, v3, vm0, $0xb8;
	[tilespmem:$0x18080] =	vst v63  }
0x54: {  	_ = 	snop  }
0x55: {  	[tilespmem:s25], [sflag:$0x1] =	stream.indirect_vreg.gather [hbm4b:s6+s2], $0x80, v3, vm0, $0xb8;
	[tilespmem:$0x18080] =	vst v63  }
0x56: {  	_ = 	snop  }
0x57: {  	[tilespmem:s26], [sflag:$0x1] =	stream.indirect_vreg.gather [hbm4b:s7+s2], $0x80, v3, vm0, $0xb8;
	[tilespmem:$0x18080] =	vst v63  }
0x58: {  	v3 =	vld [tilespmem:$0x20];
	_ =	sdelay $0x4  }
0x59: {  	v58 =	vshll.u32 v3, $0x3  }
0x5a: {  	v3 =	vand.u32 $0x7, v3;
	v4 =	vand.u32 $0xFFFFFFC0, v58  }
0x5b: {  	v3 =	vor.u32 v3, v4  }
0x5c: {  	v4 =	vperm.xlane v3, v0;
	_ =	sdelay $0x1  }
0x5d: {  	v4 =	vadd.s32 v1, v4;
	_ =	sdelay $0x4  }
0x5e: {  	[tilespmem:s29], [sflag:$0x2] =	stream.indirect_vreg.gather [hbm4b:s4+s2], $0x80, v4, vm0, $0xb8;
	[tilespmem:$0x18080] =	vst v63  }
0x5f: {  	s3 =	rddreg [dreg:$0x7];
	v3 =	vperm.xlane v3, v2  }
0x60: {  	[tilespmem:s3], [sflag:$0x2] =	stream.indirect_vreg.gather [hbm4b:s5+s2], $0x80, v4, vm0, $0xb8;
	[tilespmem:$0x18080] =	vst v63  }
0x61: {  	s11 =	rddreg [dreg:$0x8];
	v3 =	vadd.s32 v1, v3  }
0x62: {  	[tilespmem:s11], [sflag:$0x2] =	stream.indirect_vreg.gather [hbm4b:s6+s2], $0x80, v4, vm0, $0xb8;
	[tilespmem:$0x18080] =	vst v63  }
0x63: {  	s3 =	rddreg [dreg:$0x9]  }
0x64: {  	[tilespmem:s3], [sflag:$0x2] =	stream.indirect_vreg.gather [hbm4b:s7+s2], $0x80, v4, vm0, $0xb8;
	[tilespmem:$0x18080] =	vst v63  }
0x65: {  	s11 =	rddreg [dreg:$0xa]  }
0x66: {  	[tilespmem:s11], [sflag:$0x2] =	stream.indirect_vreg.gather [hbm4b:s4+s2], $0x80, v3, vm0, $0xb8;
	[tilespmem:$0x18080] =	vst v63  }
0x67: {  	s3 =	rddreg [dreg:$0xb]  }
0x68: {  	[tilespmem:s3], [sflag:$0x2] =	stream.indirect_vreg.gather [hbm4b:s5+s2], $0x80, v3, vm0, $0xb8;
	[tilespmem:$0x18080] =	vst v63  }
0x69: {  	s11 =	rddreg [dreg:$0xc]  }
0x6a: {  	[tilespmem:s11], [sflag:$0x2] =	stream.indirect_vreg.gather [hbm4b:s6+s2], $0x80, v3, vm0, $0xb8;
	[tilespmem:$0x18080] =	vst v63  }
0x6b: {  	s3 =	rddreg [dreg:$0xd]  }
0x6c: {  	[tilespmem:s3], [sflag:$0x2] =	stream.indirect_vreg.gather [hbm4b:s7+s2], $0x80, v3, vm0, $0xb8;
	[tilespmem:$0x18080] =	vst v63  }
0x6d: {  	v3 =	vld [tilespmem:$0x30];
	_ =	sdelay $0x4  }
0x6e: {  	v59 =	vshll.u32 v3, $0x3  }
0x6f: {  	v3 =	vand.u32 $0x7, v3;
	v4 =	vand.u32 $0xFFFFFFC0, v59  }
0x70: {  	v3 =	vor.u32 v3, v4  }
0x71: {  	v4 =	vperm.xlane v3, v0;
	_ =	sdelay $0x1  }
0x72: {  	v4 =	vadd.s32 v1, v4;
	_ =	sdelay $0x3  }
0x73: {  	s3 =	rddreg [dreg:$0xe]  }
0x74: {  	[tilespmem:s3], [sflag:$0x2] =	stream.indirect_vreg.gather [hbm4b:s4+s2], $0x80, v4, vm0, $0xb8;
	[tilespmem:$0x18080] =	vst v63  }
0x75: {  	s11 =	rddreg [dreg:$0xf];
	v3 =	vperm.xlane v3, v2  }
0x76: {  	[tilespmem:s11], [sflag:$0x2] =	stream.indirect_vreg.gather [hbm4b:s5+s2], $0x80, v4, vm0, $0xb8;
	[tilespmem:$0x18080] =	vst v63  }
0x77: {  	v3 =	vadd.s32 v1, v3;
	s3 =	rddreg [dreg:$0x10]  }
0x78: {  	[tilespmem:s3], [sflag:$0x2] =	stream.indirect_vreg.gather [hbm4b:s6+s2], $0x80, v4, vm0, $0xb8;
	[tilespmem:$0x18080] =	vst v63  }
0x79: {  	s11 =	rddreg [dreg:$0x11]  }
0x7a: {  	[tilespmem:s11], [sflag:$0x2] =	stream.indirect_vreg.gather [hbm4b:s7+s2], $0x80, v4, vm0, $0xb8;
	[tilespmem:$0x18080] =	vst v63  }
0x7b: {  	s3 =	rddreg [dreg:$0x12]  }
0x7c: {  	[tilespmem:s3], [sflag:$0x2] =	stream.indirect_vreg.gather [hbm4b:s4+s2], $0x80, v3, vm0, $0xb8;
	[tilespmem:$0x18080] =	vst v63  }
0x7d: {  	s11 =	rddreg [dreg:$0x13]  }
0x7e: {  	[tilespmem:s11], [sflag:$0x2] =	stream.indirect_vreg.gather [hbm4b:s5+s2], $0x80, v3, vm0, $0xb8;
	[tilespmem:$0x18080] =	vst v63  }
0x7f: {  	s3 =	rddreg [dreg:$0x14]  }
0x80: {  	[tilespmem:s3], [sflag:$0x2] =	stream.indirect_vreg.gather [hbm4b:s6+s2], $0x80, v3, vm0, $0xb8;
	[tilespmem:$0x18080] =	vst v63  }
0x81: {  	s11 =	rddreg [dreg:$0x15]  }
0x82: {  	[tilespmem:s11], [sflag:$0x2] =	stream.indirect_vreg.gather [hbm4b:s7+s2], $0x80, v3, vm0, $0xb8;
	[tilespmem:$0x18080] =	vst v63  }
0x83: {  	_ =	swait.ge [sflag:s28], $0x8000  }
0x84: {  	s11 =	sld [smem:$0x7F8]  }
0x85: {  	[sflag:s28] =	ssyncset.done $0x0  }
0x86: {  	[sflag:s28] =	ssyncadd.s32 $0xFFFF8000  }
0x87: {  	[hbm4b:s11+s2] =	stream.linear.scatter [tilespmem:s10], [sflag:$0x4], $0x8000, $0x38;
	[tilespmem:$0x18080] =	vst v63  }
0x88: {  	v3 =	vld [tilespmem:$0x40];
	_ =	sdelay $0x4  }
0x89: {  	v60 =	vshll.u32 v3, $0x3  }
0x8a: {  	v3 =	vand.u32 $0x7, v3;
	v4 =	vand.u32 $0xFFFFFFC0, v60  }
0x8b: {  	v3 =	vor.u32 v3, v4  }
0x8c: {  	v4 =	vperm.xlane v3, v0;
	_ =	sdelay $0x1  }
0x8d: {  	v4 =	vadd.s32 v1, v4;
	_ =	sdelay $0x4  }
0x8e: {  	[tilespmem:s9], [sflag:$0x3] =	stream.indirect_vreg.gather [hbm4b:s4+s2], $0x80, v4, vm0, $0xb8;
	[tilespmem:$0x18080] =	vst v63  }
0x8f: {  	s3 =	rddreg [dreg:$0x16];
	v3 =	vperm.xlane v3, v2  }
0x90: {  	[tilespmem:s3], [sflag:$0x3] =	stream.indirect_vreg.gather [hbm4b:s5+s2], $0x80, v4, vm0, $0xb8;
	[tilespmem:$0x18080] =	vst v63  }
0x91: {  	s11 =	rddreg [dreg:$0x17];
	v3 =	vadd.s32 v1, v3  }
0x92: {  	[tilespmem:s11], [sflag:$0x3] =	stream.indirect_vreg.gather [hbm4b:s6+s2], $0x80, v4, vm0, $0xb8;
	[tilespmem:$0x18080] =	vst v63  }
0x93: {  	s3 =	rddreg [dreg:$0x18]  }
0x94: {  	[tilespmem:s3], [sflag:$0x3] =	stream.indirect_vreg.gather [hbm4b:s7+s2], $0x80, v4, vm0, $0xb8;
	[tilespmem:$0x18080] =	vst v63  }
0x95: {  	s11 =	rddreg [dreg:$0x19]  }
0x96: {  	[tilespmem:s11], [sflag:$0x3] =	stream.indirect_vreg.gather [hbm4b:s4+s2], $0x80, v3, vm0, $0xb8;
	[tilespmem:$0x18080] =	vst v63  }
0x97: {  	s3 =	rddreg [dreg:$0x1a]  }
0x98: {  	[tilespmem:s3], [sflag:$0x3] =	stream.indirect_vreg.gather [hbm4b:s5+s2], $0x80, v3, vm0, $0xb8;
	[tilespmem:$0x18080] =	vst v63  }
0x99: {  	s11 =	rddreg [dreg:$0x1b]  }
0x9a: {  	[tilespmem:s11], [sflag:$0x3] =	stream.indirect_vreg.gather [hbm4b:s6+s2], $0x80, v3, vm0, $0xb8;
	[tilespmem:$0x18080] =	vst v63  }
0x9b: {  	s3 =	rddreg [dreg:$0x1c]  }
0x9c: {  	[tilespmem:s3], [sflag:$0x3] =	stream.indirect_vreg.gather [hbm4b:s7+s2], $0x80, v3, vm0, $0xb8;
	[tilespmem:$0x18080] =	vst v63  }
0x9d: {  	v3 =	vld [tilespmem:$0x50];
	_ =	sdelay $0x4  }
0x9e: {  	v61 =	vshll.u32 v3, $0x3  }
0x9f: {  	v3 =	vand.u32 $0x7, v3;
	v4 =	vand.u32 $0xFFFFFFC0, v61  }
0xa0: {  	v3 =	vor.u32 v3, v4  }
0xa1: {  	v4 =	vperm.xlane v3, v0;
	_ =	sdelay $0x1  }
0xa2: {  	v4 =	vadd.s32 v1, v4;
	_ =	sdelay $0x2  }
0xa3: {  	s11 =	rddreg [dreg:$0x1e]  }
0xa4: {  	s3 =	rddreg [dreg:$0x1d]  }
0xa5: {  	[tilespmem:s3], [sflag:$0x3] =	stream.indirect_vreg.gather [hbm4b:s4+s2], $0x80, v4, vm0, $0xb8;
	[tilespmem:$0x18080] =	vst v63  }
0xa6: {  	v3 =	vperm.xlane v3, v2;
	s3 =	rddreg [dreg:$0x1f]  }
0xa7: {  	[tilespmem:s11], [sflag:$0x3] =	stream.indirect_vreg.gather [hbm4b:s5+s2], $0x80, v4, vm0, $0xb8;
	[tilespmem:$0x18080] =	vst v63  }
0xa8: {  	v3 =	vadd.s32 v1, v3;
	s11 =	sld [smem:$0x7F9]  }
0xa9: {  	[tilespmem:s3], [sflag:$0x3] =	stream.indirect_vreg.gather [hbm4b:s6+s2], $0x80, v4, vm0, $0xb8;
	[tilespmem:$0x18080] =	vst v63  }
0xaa: {  	s3 =	sld [smem:$0x7FA]  }
0xab: {  	[tilespmem:s11], [sflag:$0x3] =	stream.indirect_vreg.gather [hbm4b:s7+s2], $0x80, v4, vm0, $0xb8;
	[tilespmem:$0x18080] =	vst v63  }
0xac: {  	s11 =	sld [smem:$0x7FB]  }
0xad: {  	[tilespmem:s3], [sflag:$0x3] =	stream.indirect_vreg.gather [hbm4b:s4+s2], $0x80, v3, vm0, $0xb8;
	[tilespmem:$0x18080] =	vst v63  }
0xae: {  	s3 =	sld [smem:$0x7FC]  }
0xaf: {  	[tilespmem:s11], [sflag:$0x3] =	stream.indirect_vreg.gather [hbm4b:s5+s2], $0x80, v3, vm0, $0xb8;
	[tilespmem:$0x18080] =	vst v63  }
0xb0: {  	s11 =	sld [smem:$0x7FD]  }
0xb1: {  	[tilespmem:s3], [sflag:$0x3] =	stream.indirect_vreg.gather [hbm4b:s6+s2], $0x80, v3, vm0, $0xb8;
	[tilespmem:$0x18080] =	vst v63  }
0xb2: {  	_ = 	snop  }
0xb3: {  	[tilespmem:s11], [sflag:$0x3] =	stream.indirect_vreg.gather [hbm4b:s7+s2], $0x80, v3, vm0, $0xb8;
	[tilespmem:$0x18080] =	vst v63  }
0xb4: {  	_ =	swait.ge [sflag:s30], $0x8000  }
0xb5: {  	[sflag:s30] =	ssyncset.done $0x0  }
0xb6: {  	s11 =	rddreg [dreg:$0x4];
	[sflag:s30] =	ssyncadd.s32 $0xFFFF8000  }
0xb7: {  	[hbm4b:s11+s2] =	stream.linear.scatter [tilespmem:s29], [sflag:$0x5], $0x8000, $0x38;
	[tilespmem:$0x18080] =	vst v63  }
0xb8: {  	_ =	swait.ge [sflag:s31], $0x8000  }
0xb9: {  	[sflag:s31] =	ssyncset.done $0x0  }
0xba: {  	[sflag:s31] =	ssyncadd.s32 $0xFFFF8000  }
0xbb: {  	v3 =	vld [tilespmem:$0x60];
	_ =	sdelay $0x4  }
0xbc: {  	v62 =	vshll.u32 v3, $0x3  }
0xbd: {  	v3 =	vand.u32 $0x7, v3;
	v4 =	vand.u32 $0xFFFFFFC0, v62  }
0xbe: {  	v3 =	vor.u32 v3, v4  }
0xbf: {  	v4 =	vperm.xlane v3, v0;
	_ =	sdelay $0x1  }
0xc0: {  	v4 =	vadd.s32 v1, v4;
	_ =	sdelay $0x4  }
0xc1: {  	[tilespmem:s10], [sflag:$0x1] =	stream.indirect_vreg.gather [hbm4b:s4+s2], $0x80, v4, vm0, $0xb8;
	[tilespmem:$0x18080] =	vst v63  }
0xc2: {  	v3 =	vperm.xlane v3, v2  }
0xc3: {  	[tilespmem:s12], [sflag:$0x1] =	stream.indirect_vreg.gather [hbm4b:s5+s2], $0x80, v4, vm0, $0xb8;
	[tilespmem:$0x18080] =	vst v63  }
0xc4: {  	v3 =	vadd.s32 v1, v3  }
0xc5: {  	[tilespmem:s13], [sflag:$0x1] =	stream.indirect_vreg.gather [hbm4b:s6+s2], $0x80, v4, vm0, $0xb8;
	[tilespmem:$0x18080] =	vst v63  }
0xc6: {  	_ = 	snop  }
0xc7: {  	[tilespmem:s14], [sflag:$0x1] =	stream.indirect_vreg.gather [hbm4b:s7+s2], $0x80, v4, vm0, $0xb8;
	[tilespmem:$0x18080] =	vst v63  }
0xc8: {  	_ = 	snop  }
0xc9: {  	[tilespmem:s15], [sflag:$0x1] =	stream.indirect_vreg.gather [hbm4b:s4+s2], $0x80, v3, vm0, $0xb8;
	[tilespmem:$0x18080] =	vst v63  }
0xca: {  	_ = 	snop  }
0xcb: {  	[tilespmem:s16], [sflag:$0x1] =	stream.indirect_vreg.gather [hbm4b:s5+s2], $0x80, v3, vm0, $0xb8;
	[tilespmem:$0x18080] =	vst v63  }
0xcc: {  	_ = 	snop  }
0xcd: {  	[tilespmem:s17], [sflag:$0x1] =	stream.indirect_vreg.gather [hbm4b:s6+s2], $0x80, v3, vm0, $0xb8;
	[tilespmem:$0x18080] =	vst v63  }
0xce: {  	_ = 	snop  }
0xcf: {  	[tilespmem:s18], [sflag:$0x1] =	stream.indirect_vreg.gather [hbm4b:s7+s2], $0x80, v3, vm0, $0xb8;
	[tilespmem:$0x18080] =	vst v63  }
0xd0: {  	v3 =	vld [tilespmem:$0x70];
	_ =	sdelay $0x4  }
0xd1: {  	v63 =	vshll.u32 v3, $0x3  }
0xd2: {  	v3 =	vand.u32 $0x7, v3;
	v4 =	vand.u32 $0xFFFFFFC0, v63  }
0xd3: {  	v3 =	vor.u32 v3, v4  }
0xd4: {  	v4 =	vperm.xlane v3, v0;
	_ =	sdelay $0x1  }
0xd5: {  	v4 =	vadd.s32 v1, v4;
	_ =	sdelay $0x4  }
0xd6: {  	[tilespmem:s19], [sflag:$0x1] =	stream.indirect_vreg.gather [hbm4b:s4+s2], $0x80, v4, vm0, $0xb8;
	[tilespmem:$0x18080] =	vst v63  }
0xd7: {  	v3 =	vperm.xlane v3, v2  }
0xd8: {  	[tilespmem:s20], [sflag:$0x1] =	stream.indirect_vreg.gather [hbm4b:s5+s2], $0x80, v4, vm0, $0xb8;
	[tilespmem:$0x18080] =	vst v63  }
0xd9: {  	v3 =	vadd.s32 v1, v3  }
0xda: {  	[tilespmem:s21], [sflag:$0x1] =	stream.indirect_vreg.gather [hbm4b:s6+s2], $0x80, v4, vm0, $0xb8;
	[tilespmem:$0x18080] =	vst v63  }
0xdb: {  	_ = 	snop  }
0xdc: {  	[tilespmem:s22], [sflag:$0x1] =	stream.indirect_vreg.gather [hbm4b:s7+s2], $0x80, v4, vm0, $0xb8;
	[tilespmem:$0x18080] =	vst v63  }
0xdd: {  	_ = 	snop  }
0xde: {  	[tilespmem:s23], [sflag:$0x1] =	stream.indirect_vreg.gather [hbm4b:s4+s2], $0x80, v3, vm0, $0xb8;
	[tilespmem:$0x18080] =	vst v63  }
0xdf: {  	_ = 	snop  }
0xe0: {  	[tilespmem:s24], [sflag:$0x1] =	stream.indirect_vreg.gather [hbm4b:s5+s2], $0x80, v3, vm0, $0xb8;
	[tilespmem:$0x18080] =	vst v63  }
0xe1: {  	_ = 	snop  }
0xe2: {  	[tilespmem:s25], [sflag:$0x1] =	stream.indirect_vreg.gather [hbm4b:s6+s2], $0x80, v3, vm0, $0xb8;
	[tilespmem:$0x18080] =	vst v63  }
0xe3: {  	_ = 	snop  }
0xe4: {  	[tilespmem:s26], [sflag:$0x1] =	stream.indirect_vreg.gather [hbm4b:s7+s2], $0x80, v3, vm0, $0xb8;
	[tilespmem:$0x18080] =	vst v63  }
0xe5: {  	_ =	swait.ge [sflag:s1], $0x8000  }
0xe6: {  	[sflag:s1] =	ssyncset.done $0x0  }
0xe7: {  	s11 =	rddreg [dreg:$0x5];
	[sflag:s1] =	ssyncadd.s32 $0xFFFF8000  }
0xe8: {  	[hbm4b:s11+s2] =	stream.linear.scatter [tilespmem:s9], [sflag:$0x6], $0x8000, $0x38;
	[tilespmem:$0x18080] =	vst v63  }
0xe9: {  	_ =	swait.ge [sflag:s28], $0x8000  }
0xea: {  	[sflag:s28] =	ssyncset.done $0x0  }
0xeb: {  	s11 =	rddreg [dreg:$0x6];
	[sflag:s28] =	ssyncadd.s32 $0xFFFF8000  }
0xec: {  	[hbm4b:s11+s2] =	stream.linear.scatter [tilespmem:s10], [sflag:$0x4], $0x8000, $0x38;
	[tilespmem:$0x18080] =	vst v63  }
0xed: {  	p0 =	sne.s32 s8, $0x1;
	_ =	swait.ge [sflag:s0], $0x8000  }
.Ltmp0:
0xee: {  	[sflag:s0] =	ssyncset.done $0x0;
	(pc) =	sbr.rel @p0 .LBB2_1-.Ltmp0, $4  }
0xef: {  	[sflag:s0] =	ssyncadd.s32 $0xFFFF8000  }
0xf0: {  	_ =	swait.ge [sflag:s31], $0x8000  }
0xf1: {  	[sflag:s31] =	ssyncset.done $0x0  }
0xf2: {  	s8 =	sadd.s32 $0xFFFFFFFF, s8;
	[sflag:s31] =	ssyncadd.s32 $0xFFFF8000  }
0xf3: {  	_ =	sfence.sel $0x180000  }
0xf4: {  	[bflag:$0x0] =	sbarrier.arrive $0xFFFF  }
0xf5: {  	_ =	strace $0x9000004A  }
0xf6: {  	s0 =	stileid.u32;
	[bflag:$0x2] =	sbarrier.arrive $0xFFFF  }
0xf7: {  	p0 =	sne.s32 s0, $0x0;
	s0 =	rddreg [dreg:$0x2]  }
0xf8: {  	s0 =	sadd.s32 @!p0 $0x100000, s0  }
0xf9: {  	[sflag:s0] =	ssyncadd.tile.s32 @!p0 $0x1;
	_ =	shalt  }
.Lfunc_end2:
_tile_overlayer_lowered:
.L_overlay_start_2:
0xfa: {  	(tag) =	ssettag $0x2  }
0xfb: {  	s0 =	rddreg [dreg:$0x0];
	s2 =	stileid.u32  }
0xfc: {  	s1 =	rddreg [dreg:$0x1];
	p0 =	sne.s32 s2, $0x0  }
0xfd: {  	s3 =	rddreg [dreg:$0x2];
	[bflag:$0x3] =	sbarrier.arrive $0xFFFF;
	s2 =	simm.s32 @!p0 $0x1C07  }
0xfe: {  	[timem:s3], [sflag:s2] =	dma.local @!p0 [hbm:s0], s1  }
0xff: {  	s0 =	simm.s32 @!p0 $0x7  }
0x100: {  	_ =	swait.ge @!p0 [sflag:s0], s1  }
0x101: {  	s1 =	ssub.s32 @!p0 $0x0, s1;
	[sflag:s0] =	ssyncset.done @!p0 $0x0  }
0x102: {  	[sflag:s0] =	ssyncadd.s32 @!p0 s1  }
0x103: {  	[bflag:$0x3] =	sbarrier.arrive $0xFFFF  }
0x104: {  	_ =	shalt  }

</sc_bundles>
